<compile_context>
chip_gen: v7x
topology: tpu7x:2x2x1
jax: 0.10.2.dev20260603
libtpu: 0.0.44.dev20260713+nightly
codegen_flags: <defaults>
</compile_context>

<pallas_src>
import functools

import jax
import jax.numpy as jnp
from jax import lax
from jax.experimental import pallas as pl
from jax.experimental.pallas import tpu as pltpu
from jax.experimental.pallas import tpu_sc as plsc

N = 16384
C = 64
STRIDE = 4
NSAMPLE = 32
ROWS = N // 128
M = N // STRIDE
B = M * NSAMPLE
NBLK = 32
BLK = B // NBLK
INV_B = 1.0 / float(B)
EPS = 1e-5



def _fps_kernel(x_ref, y_ref, z_ref, idx_ref, nxyz_ref):
    ii = (lax.broadcasted_iota(jnp.int32, (ROWS, 128), 0) * 128
          + lax.broadcasted_iota(jnp.int32, (ROWS, 128), 1))
    lane = lax.broadcasted_iota(jnp.int32, (1, 128), 1)

    def extract(ref, idx):
        r = idx // 128
        c = idx % 128
        row = ref[pl.ds(r, 1), :]
        return jnp.sum(jnp.where(lane == c, row, 0.0))

    X = x_ref[...]
    Y = y_ref[...]
    Z = z_ref[...]

    idx_ref[0] = 0
    x0 = extract(x_ref, jnp.int32(0))
    y0 = extract(y_ref, jnp.int32(0))
    z0 = extract(z_ref, jnp.int32(0))
    nxyz_ref[0, 0] = x0
    nxyz_ref[1, 0] = y0
    nxyz_ref[2, 0] = z0

    def body(i, carry):
        dists, xl, yl, zl = carry
        dx = X - xl
        dy = Y - yl
        dz = Z - zl
        d = (dx * dx + dy * dy) + dz * dz
        dists = jnp.minimum(dists, d)
        mx = jnp.max(dists)
        cand = jnp.where(dists == mx, ii, jnp.int32(2 ** 30))
        nxt = jnp.min(cand)
        idx_ref[i] = nxt
        xn = extract(x_ref, nxt)
        yn = extract(y_ref, nxt)
        zn = extract(z_ref, nxt)
        nxyz_ref[0, i] = xn
        nxyz_ref[1, i] = yn
        nxyz_ref[2, i] = zn
        return dists, xn, yn, zn

    dists0 = jnp.full((ROWS, 128), 1e10, dtype=jnp.float32)
    lax.fori_loop(1, M, body, (dists0, x0, y0, z0), unroll=False)


_fps_call = pl.pallas_call(
    _fps_kernel,
    out_shape=[
        jax.ShapeDtypeStruct((M,), jnp.int32),
        jax.ShapeDtypeStruct((3, M), jnp.float32),
    ],
    in_specs=[pl.BlockSpec(memory_space=pltpu.VMEM)] * 3,
    out_specs=[pl.BlockSpec(memory_space=pltpu.SMEM)] * 2,
)



def _t1_kernel(xp_ref, w1tp_ref, nxp_ref, t1_ref, q1c_ref):
    t1_ref[...] = jnp.dot(xp_ref[...], w1tp_ref[...],
                          preferred_element_type=jnp.float32,
                          precision=lax.Precision.HIGHEST)
    q1c_ref[...] = jnp.dot(nxp_ref[...], w1tp_ref[...],
                           preferred_element_type=jnp.float32,
                           precision=lax.Precision.HIGHEST)


_T1G = 8

_t1_call = pl.pallas_call(
    _t1_kernel,
    grid=(_T1G,),
    in_specs=[
        pl.BlockSpec((N // _T1G, 128), lambda i: (i, 0)),
        pl.BlockSpec((128, C), lambda i: (0, 0)),
        pl.BlockSpec((M // _T1G, 128), lambda i: (i, 0)),
    ],
    out_specs=[
        pl.BlockSpec((N // _T1G, C), lambda i: (i, 0)),
        pl.BlockSpec((M // _T1G, C), lambda i: (i, 0)),
    ],
    out_shape=[
        jax.ShapeDtypeStruct((N, C), jnp.float32),
        jax.ShapeDtypeStruct((M, C), jnp.float32),
    ],
)



def _fold_min(v, a):
    rows = v.shape[0]
    while rows > 8:
        h = rows // 2
        keep = v[:h] <= v[h:]
        a = jnp.where(keep, a[:h], a[h:])
        v = jnp.minimum(v[:h], v[h:])
        rows = h
    h = rows // 2
    while h >= 1:
        vr = jnp.roll(v, -h, axis=0)
        ar = jnp.roll(a, -h, axis=0)
        keep = v <= vr
        a = jnp.where(keep, a, ar)
        v = jnp.minimum(v, vr)
        h //= 2
    return v[0:1], a[0:1]


def _knn_kernel(xb_ref, qt_ref, out_ref, s_scr):
    qt = qt_ref[...]
    for c in range(8):
        r0 = c * (N // 8)
        s_scr[r0:r0 + N // 8, :] = jnp.dot(
            xb_ref[r0:r0 + N // 8, :], qt,
            preferred_element_type=jnp.float32,
            precision=lax.Precision.HIGHEST)

    CH = 256
    NCH = N // CH

    def step(s, carry):
        v_prev, a_prev, acc = carry
        for c in range(NCH):
            r0 = c * CH
            v = s_scr[r0:r0 + CH, :]
            a = lax.broadcasted_iota(jnp.int32, (CH, 128), 0) + r0
            gt = (v > v_prev) | ((v == v_prev) & (a > a_prev))
            v = jnp.where(gt, v, jnp.float32(jnp.inf))
            vc, ac = _fold_min(v, a)
            if c == 0:
                vb, ab = vc, ac
            else:
                keep = vb <= vc
                ab = jnp.where(keep, ab, ac)
                vb = jnp.minimum(vb, vc)
        acc = jnp.where(
            lax.broadcasted_iota(jnp.int32, (NSAMPLE, 128), 0) == s, ab, acc)
        return vb, ab, acc

    carry = (jnp.full((1, 128), -jnp.inf, jnp.float32),
             jnp.full((1, 128), -1, jnp.int32),
             jnp.zeros((NSAMPLE, 128), jnp.int32))
    for sidx in range(NSAMPLE):
        carry = step(sidx, carry)
    out_ref[...] = carry[2]


_knn_call = pl.pallas_call(
    _knn_kernel,
    grid=(M // 128,),
    in_specs=[
        pl.BlockSpec((N, 128), lambda i: (0, 0)),
        pl.BlockSpec((128, 128), lambda i: (0, i)),
    ],
    out_specs=pl.BlockSpec((NSAMPLE, 128), lambda i: (0, i)),
    out_shape=jax.ShapeDtypeStruct((NSAMPLE, M), jnp.int32),
    scratch_shapes=[
        pltpu.VMEM((N, 128), jnp.float32),
    ],
)



_NW = 32
_BPW = B // _NW
_GCH = 8
_GCHROWS = _BPW // _GCH


_gather_call_cache = []


def _gather_call(table, idx):
    if not _gather_call_cache:
        @functools.partial(
            pl.kernel,
            mesh=plsc.VectorSubcoreMesh(core_axis_name="c", subcore_axis_name="s"),
            out_type=jax.ShapeDtypeStruct((B, 128), jnp.float32),
            scratch_types=[
                pltpu.VMEM((_GCHROWS,), jnp.int32),
                pltpu.VMEM((_GCHROWS, 128), jnp.float32),
                pltpu.SemaphoreType.DMA,
            ],
        )
        def gather_body(table_hbm, idx_hbm, out_hbm, idx_v, rows_v, sem):
            wid = lax.axis_index("s") * 2 + lax.axis_index("c")
            for j in range(_GCH):
                base = wid * _BPW + j * _GCHROWS
                pltpu.sync_copy(idx_hbm.at[pl.ds(base, _GCHROWS)], idx_v)
                pltpu.async_copy(table_hbm.at[idx_v], rows_v, sem).wait()
                pltpu.sync_copy(rows_v, out_hbm.at[pl.ds(base, _GCHROWS)])

        _gather_call_cache.append(gather_body)
    return _gather_call_cache[0](table, idx)



def _stats1_kernel(g_ref, u_ref, acc_ref, out_ref):
    @pl.when(pl.program_id(0) == 0)
    def _():
        acc_ref[...] = jnp.zeros_like(acc_ref)

    h = g_ref[...] + u_ref[...]
    s = jnp.sum(h, axis=0, keepdims=True)
    s2 = jnp.sum(h * h, axis=0, keepdims=True)
    acc_ref[0:1, 0:C] += s
    acc_ref[1:2, 0:C] += s2

    @pl.when(pl.program_id(0) == NBLK - 1)
    def _():
        out_ref[...] = acc_ref[...]


_stats1_call = pl.pallas_call(
    _stats1_kernel,
    grid=(NBLK,),
    in_specs=[
        pl.BlockSpec((BLK, C), lambda i: (i, 0)),
        pl.BlockSpec((BLK, C), lambda i: (i, 0)),
    ],
    out_specs=pl.BlockSpec((8, 128), lambda i: (0, 0)),
    out_shape=jax.ShapeDtypeStruct((8, 128), jnp.float32),
    scratch_shapes=[pltpu.VMEM((8, 128), jnp.float32)],
)


def _norm(h, stats_ref, gb_ref, width):
    mean = stats_ref[0:1, 0:width] * INV_B
    var = stats_ref[1:2, 0:width] * INV_B - mean * mean
    rstd = lax.rsqrt(var + EPS)
    g = gb_ref[0:1, 0:width]
    be = gb_ref[1:2, 0:width]
    return jnp.maximum((h - mean) * (rstd * g) + be, 0.0)


def _layer_kernel(width_in, width_out):
    def body(h_ref, u_ref, stats_ref, gb_ref, wt_ref, out_ref, sout_ref, acc_ref):
        @pl.when(pl.program_id(0) == 0)
        def _():
            acc_ref[...] = jnp.zeros_like(acc_ref)

        h = h_ref[...]
        if u_ref is not None:
            h = h + u_ref[...]
        a = _norm(h, stats_ref, gb_ref, width_in)
        o = jnp.dot(a, wt_ref[...], preferred_element_type=jnp.float32,
                    precision=lax.Precision.HIGHEST) + gb_ref[2:3, 0:width_out]
        out_ref[...] = o
        acc_ref[0:1, 0:width_out] += jnp.sum(o, axis=0, keepdims=True)
        acc_ref[1:2, 0:width_out] += jnp.sum(o * o, axis=0, keepdims=True)

        @pl.when(pl.program_id(0) == NBLK - 1)
        def _():
            sout_ref[...] = acc_ref[...]

    return body


def _l2_body(h_ref, u_ref, stats_ref, gb_ref, wt_ref, out_ref, sout_ref, acc_ref):
    _layer_kernel(C, C)(h_ref, u_ref, stats_ref, gb_ref, wt_ref, out_ref, sout_ref, acc_ref)


_l2_call = pl.pallas_call(
    _l2_body,
    grid=(NBLK,),
    in_specs=[
        pl.BlockSpec((BLK, C), lambda i: (i, 0)),
        pl.BlockSpec((BLK, C), lambda i: (i, 0)),
        pl.BlockSpec((8, 128), lambda i: (0, 0)),
        pl.BlockSpec((8, 128), lambda i: (0, 0)),
        pl.BlockSpec((C, C), lambda i: (0, 0)),
    ],
    out_specs=[
        pl.BlockSpec((BLK, C), lambda i: (i, 0)),
        pl.BlockSpec((8, 128), lambda i: (0, 0)),
    ],
    out_shape=[
        jax.ShapeDtypeStruct((B, C), jnp.float32),
        jax.ShapeDtypeStruct((8, 128), jnp.float32),
    ],
    scratch_shapes=[pltpu.VMEM((8, 128), jnp.float32)],
)


def _l3_body(h_ref, stats_ref, gb_ref, wt_ref, out_ref, sout_ref, acc_ref):
    _layer_kernel(C, 128)(h_ref, None, stats_ref, gb_ref, wt_ref, out_ref, sout_ref, acc_ref)


_l3_call = pl.pallas_call(
    _l3_body,
    grid=(NBLK,),
    in_specs=[
        pl.BlockSpec((BLK, C), lambda i: (i, 0)),
        pl.BlockSpec((8, 128), lambda i: (0, 0)),
        pl.BlockSpec((8, 128), lambda i: (0, 0)),
        pl.BlockSpec((C, 128), lambda i: (0, 0)),
    ],
    out_specs=[
        pl.BlockSpec((BLK, 128), lambda i: (i, 0)),
        pl.BlockSpec((8, 128), lambda i: (0, 0)),
    ],
    out_shape=[
        jax.ShapeDtypeStruct((B, 128), jnp.float32),
        jax.ShapeDtypeStruct((8, 128), jnp.float32),
    ],
    scratch_shapes=[pltpu.VMEM((8, 128), jnp.float32)],
)


def _pool_kernel(h_ref, stats_ref, gb_ref, out_ref):
    a = _norm(h_ref[...], stats_ref, gb_ref, 128)
    a = a.reshape(BLK // NSAMPLE, NSAMPLE, 128)
    out_ref[...] = jnp.max(a, axis=1)


_pool_call = pl.pallas_call(
    _pool_kernel,
    grid=(NBLK,),
    in_specs=[
        pl.BlockSpec((BLK, 128), lambda i: (i, 0)),
        pl.BlockSpec((8, 128), lambda i: (0, 0)),
        pl.BlockSpec((8, 128), lambda i: (0, 0)),
    ],
    out_specs=pl.BlockSpec((BLK // NSAMPLE, 128), lambda i: (i, 0)),
    out_shape=jax.ShapeDtypeStruct((M, 128), jnp.float32),
)


def _pack3(a, b, c=None):
    rows = [jnp.pad(a, (0, 128 - a.shape[0]))[None, :],
            jnp.pad(b, (0, 128 - b.shape[0]))[None, :]]
    if c is not None:
        rows.append(jnp.pad(c, (0, 128 - c.shape[0]))[None, :])
    p = jnp.concatenate(rows, axis=0)
    return jnp.pad(p, ((0, 8 - p.shape[0]), (0, 0)))




def kernel(xyz, points, offset, w1, b1, gamma1, beta1, w2, b2, gamma2, beta2, w3, b3, gamma3, beta3):
    n = xyz.shape[0]
    m = n // STRIDE
    x = xyz[:, 0].reshape(ROWS, 128)
    y = xyz[:, 1].reshape(ROWS, 128)
    z = xyz[:, 2].reshape(ROWS, 128)
    fps_idx, new_xyz_t = _fps_call(x, y, z)
    new_xyz = new_xyz_t.T

    qq = jnp.sum(new_xyz * new_xyz, axis=1, keepdims=True)
    bb = jnp.sum(xyz * xyz, axis=1)
    d = qq + bb[None, :] - 2.0 * (new_xyz @ xyz.T)
    _, gidx = jax.lax.top_k(-d, NSAMPLE)
    gidx_flat = gidx.reshape(-1)

    w1tp = jnp.pad(w1.T, ((0, 128 - 67), (0, 0)))
    xp = jnp.pad(jnp.concatenate([xyz, points], axis=1), ((0, 0), (0, 128 - 67)))
    nxp = jnp.pad(new_xyz, ((0, 0), (0, 125)))
    t1, q1c = _t1_call(xp, w1tp, nxp)

    g = _gather_call(jnp.pad(t1, ((0, 0), (0, 128 - C))), gidx_flat)[:, :C]

    u1 = b1[None, :] - q1c
    u1e = jnp.repeat(u1, NSAMPLE, axis=0)

    stats1 = _stats1_call(g, u1e)
    gb2 = _pack3(gamma1, beta1, b2)
    h2, stats2 = _l2_call(g, u1e, stats1, gb2, w2.T)
    gb3 = _pack3(gamma2, beta2, b3)
    h3, stats3 = _l3_call(h2, stats2, gb3, w3.T)
    gb4 = _pack3(gamma3, beta3)
    feat = _pool_call(h3, stats3, gb4)

    new_offset = jnp.array([m], dtype=jnp.int32)
    return (new_xyz, feat, new_offset)

# --- scband reference (transcript-rebuilt; emitter-appended) ---
"""Pipeline reference for scband-point-net-set-abstraction-69329362092243 (READ-ONLY COPY).

The authoritative reference and input builder live on the scoring server;
editing this copy changes nothing except your own understanding.
"""

import jax, jax.numpy as jnp
import numpy as np

N = 16384
C = 64
STRIDE = 4
NSAMPLE = 32
MLP = [64, 64, 128]
IN_CH = 3 + C


def _fps(xyz, m):
    n = xyz.shape[0]

    def body(i, state):
        dists, idxs, last = state
        d = jnp.sum((xyz - xyz[last]) ** 2, axis=1)
        dists = jnp.minimum(dists, d)
        nxt = jnp.argmax(dists).astype(jnp.int32)
        idxs = idxs.at[i].set(nxt)
        return (dists, idxs, nxt)

    dists0 = jnp.full((n,), 1e10, dtype=xyz.dtype)
    idxs0 = jnp.zeros((m,), dtype=jnp.int32)
    dists, idxs, _ = jax.lax.fori_loop(1, m, body, (dists0, idxs0, jnp.int32(0)))
    return idxs


def _knn(query, base, k):
    qq = jnp.sum(query * query, axis=1, keepdims=True)
    bb = jnp.sum(base * base, axis=1)
    d = qq + bb[None, :] - 2.0 * (query @ base.T)
    _, idx = jax.lax.top_k(-d, k)
    return idx


def _mlp_bn(x, params):
    for (w, b, g, be) in params:
        x = jnp.einsum('oc,mcn->mon', w, x) + b[None, :, None]
        mean = jnp.mean(x, axis=(0, 2))
        var = jnp.var(x, axis=(0, 2))
        x = (x - mean[None, :, None]) / jnp.sqrt(var[None, :, None] + 1e-5)
        x = x * g[None, :, None] + be[None, :, None]
        x = jax.nn.relu(x)
    return x


def setup_inputs(seed: int = 0):
    key = jax.random.key(seed)
    ks = jax.random.split(key, 10)
    xyz = jax.random.normal(ks[0], (N, 3), dtype=jnp.float32)
    points = jax.random.normal(ks[1], (N, C), dtype=jnp.float32)
    offset = jnp.array([N], dtype=jnp.int32)
    inp = {"xyz": xyz, "points": points, "offset": offset}
    last = IN_CH
    for i, oc in enumerate(MLP):
        inp["w%d" % (i + 1)] = jax.random.normal(ks[2 + i], (oc, last), dtype=jnp.float32) * (1.0 / np.sqrt(last))
        inp["b%d" % (i + 1)] = jnp.zeros((oc,), dtype=jnp.float32)
        inp["gamma%d" % (i + 1)] = jnp.ones((oc,), dtype=jnp.float32)
        inp["beta%d" % (i + 1)] = jnp.zeros((oc,), dtype=jnp.float32)
        last = oc
    return inp


def reference(xyz, points, offset, w1, b1, gamma1, beta1, w2, b2, gamma2, beta2, w3, b3, gamma3, beta3):
    n = xyz.shape[0]
    m = n // STRIDE
    fps_idx = _fps(xyz, m)
    new_xyz = xyz[fps_idx]
    gidx = _knn(new_xyz, xyz, NSAMPLE)
    group_xyz = xyz[gidx]
    group_norm = group_xyz - new_xyz[:, None, :]
    group_pts = points[gidx]
    new_points = jnp.concatenate([group_norm, group_pts], axis=-1)
    x = jnp.transpose(new_points, (0, 2, 1))
    params = [(w1, b1, gamma1, beta1), (w2, b2, gamma2, beta2), (w3, b3, gamma3, beta3)]
    x = _mlp_bn(x, params)
    feat = jnp.max(x, axis=2)
    new_offset = jnp.array([m], dtype=jnp.int32)
    return (new_xyz, feat, new_offset)

if __name__ == "__main__":
    import jax
    _d = setup_inputs()
    print(jax.jit(kernel)(*tuple(_d.values())))

</pallas_src>

<mosaic_0001>
#map = affine_map<(d0, d1) -> (0, 0)>
#map1 = affine_map<(d0, d1) -> (0)>
module attributes {stable_mosaic.version = 14 : i64} {
  func.func @gather_body(%arg0: i32, %arg1: i32, %arg2: memref<16384x128xf32, #tpu.memory_space<hbm>>, %arg3: memref<131072xi32, #tpu.memory_space<hbm>>, %arg4: memref<131072x128xf32, #tpu.memory_space<hbm>>, %arg5: memref<512xi32, #tpu.memory_space<vmem>>, %arg6: memref<512x128xf32, #tpu.memory_space<vmem>>, %arg7: memref<!tpu.dma_semaphore, #tpu.memory_space<semaphore_mem>>) attributes {dimension_semantics = [#tpu.dimension_semantics<core_parallel>, #tpu.dimension_semantics<subcore_parallel>], iteration_bounds = array<i64: 2, 16>, scalar_prefetch = 0 : i64, scratch_operands = 3 : i64, tpu.core_type = #tpu.core_type<sc_vector_subcore>, window_params = [{transform_indices = #map}, {transform_indices = #map1}, {transform_indices = #map}]} {
    %mul3A = arith.constant 2 : i32
    %mul3A_0 = arith.muli %arg1, %mul3A : i32
    %add3A = arith.addi %mul3A_0, %arg0 : i32
    %mul3A_1 = arith.constant 4096 : i32
    %mul3A_2 = arith.muli %add3A, %mul3A_1 : i32
    %add3A_3 = arith.constant 0 : i32
    %add3A_4 = arith.addi %mul3A_2, %add3A_3 : i32
    "tpu.region"() ({
      %run_scoped3A = tpu.sem_alloc : memref<!tpu.dma_semaphore, #tpu.memory_space<semaphore_mem>>
      %dma_start3A_79 = tpu.memref_slice %arg3[%add3A_4] : memref<131072xi32, #tpu.memory_space<hbm>> -> memref<512xi32, #tpu.memory_space<hbm>>
      %dma_start3A_80 = tpu.memref_slice %arg3[%add3A_4] : memref<131072xi32, #tpu.memory_space<hbm>> -> memref<512xi32, #tpu.memory_space<hbm>>
      tpu.enqueue_dma source(%dma_start3A_80 : memref<512xi32, #tpu.memory_space<hbm>>) target(%arg5 : memref<512xi32, #tpu.memory_space<vmem>>) target_semaphore(%run_scoped3A : memref<!tpu.dma_semaphore, #tpu.memory_space<semaphore_mem>>)
      %dma_wait3A_81 = tpu.memref_slice %arg3[%add3A_4] : memref<131072xi32, #tpu.memory_space<hbm>> -> memref<512xi32, #tpu.memory_space<hbm>>
      %dma_wait3A_82 = tpu.memref_slice %arg3[%add3A_4] : memref<131072xi32, #tpu.memory_space<hbm>> -> memref<512xi32, #tpu.memory_space<hbm>>
      tpu.wait_dma2 semaphore(%run_scoped3A : memref<!tpu.dma_semaphore, #tpu.memory_space<semaphore_mem>>) src(%dma_wait3A_82 : memref<512xi32, #tpu.memory_space<hbm>>) dst(%arg5 : memref<512xi32, #tpu.memory_space<vmem>>)
      tpu.yield
    }) : () -> ()
    %dma_start3A = arith.constant 0 : i32
    %dma_start3A_5 = arith.constant 0 : i32
    %dma_start3A_6 = tpu.memref_slice %arg2[%dma_start3A, %dma_start3A_5] : memref<16384x128xf32, #tpu.memory_space<hbm>> -> memref<16384x128xf32, #tpu.memory_space<hbm>>
    tpu.enqueue_indirect_dma source(%dma_start3A_6 : memref<16384x128xf32, #tpu.memory_space<hbm>>) target(%arg6 : memref<512x128xf32, #tpu.memory_space<vmem>>) offsets(%arg5 : memref<512xi32, #tpu.memory_space<vmem>>) semaphore(%arg7 : memref<!tpu.dma_semaphore, #tpu.memory_space<semaphore_mem>>)
    %dma_wait3A = arith.constant 0 : i32
    %dma_wait3A_7 = arith.constant 0 : i32
    %dma_wait3A_8 = tpu.memref_slice %arg2[%dma_wait3A, %dma_wait3A_7] : memref<16384x128xf32, #tpu.memory_space<hbm>> -> memref<16384x128xf32, #tpu.memory_space<hbm>>
    tpu.wait_indirect_dma semaphore(%arg7 : memref<!tpu.dma_semaphore, #tpu.memory_space<semaphore_mem>>) src(%dma_wait3A_8 : memref<16384x128xf32, #tpu.memory_space<hbm>>) dst(%arg6 : memref<512x128xf32, #tpu.memory_space<vmem>>)
    "tpu.region"() ({
      %run_scoped3A = tpu.sem_alloc : memref<!tpu.dma_semaphore, #tpu.memory_space<semaphore_mem>>
      %dma_start3A_79 = arith.constant 0 : i32
      %dma_start3A_80 = tpu.memref_slice %arg4[%add3A_4, %dma_start3A_79] : memref<131072x128xf32, #tpu.memory_space<hbm>> -> memref<512x128xf32, #tpu.memory_space<hbm>>
      %dma_start3A_81 = arith.constant 0 : i32
      %dma_start3A_82 = tpu.memref_slice %arg4[%add3A_4, %dma_start3A_81] : memref<131072x128xf32, #tpu.memory_space<hbm>> -> memref<512x128xf32, #tpu.memory_space<hbm>>
      tpu.enqueue_dma source(%arg6 : memref<512x128xf32, #tpu.memory_space<vmem>>) target(%dma_start3A_82 : memref<512x128xf32, #tpu.memory_space<hbm>>) target_semaphore(%run_scoped3A : memref<!tpu.dma_semaphore, #tpu.memory_space<semaphore_mem>>)
      %dma_wait3A_83 = arith.constant 0 : i32
      %dma_wait3A_84 = tpu.memref_slice %arg4[%add3A_4, %dma_wait3A_83] : memref<131072x128xf32, #tpu.memory_space<hbm>> -> memref<512x128xf32, #tpu.memory_space<hbm>>
      %dma_wait3A_85 = arith.constant 0 : i32
      %dma_wait3A_86 = tpu.memref_slice %arg4[%add3A_4, %dma_wait3A_85] : memref<131072x128xf32, #tpu.memory_space<hbm>> -> memref<512x128xf32, #tpu.memory_space<hbm>>
      tpu.wait_dma2 semaphore(%run_scoped3A : memref<!tpu.dma_semaphore, #tpu.memory_space<semaphore_mem>>) src(%arg6 : memref<512x128xf32, #tpu.memory_space<vmem>>) dst(%dma_wait3A_86 : memref<512x128xf32, #tpu.memory_space<hbm>>)
      tpu.yield
    }) : () -> ()
    %mul3A_9 = arith.constant 4096 : i32
    %mul3A_10 = arith.muli %add3A, %mul3A_9 : i32
    %add3A_11 = arith.constant 512 : i32
    %add3A_12 = arith.addi %mul3A_10, %add3A_11 : i32
    "tpu.region"() ({
      %run_scoped3A = tpu.sem_alloc : memref<!tpu.dma_semaphore, #tpu.memory_space<semaphore_mem>>
      %dma_start3A_79 = tpu.memref_slice %arg3[%add3A_12] : memref<131072xi32, #tpu.memory_space<hbm>> -> memref<512xi32, #tpu.memory_space<hbm>>
      %dma_start3A_80 = tpu.memref_slice %arg3[%add3A_12] : memref<131072xi32, #tpu.memory_space<hbm>> -> memref<512xi32, #tpu.memory_space<hbm>>
      tpu.enqueue_dma source(%dma_start3A_80 : memref<512xi32, #tpu.memory_space<hbm>>) target(%arg5 : memref<512xi32, #tpu.memory_space<vmem>>) target_semaphore(%run_scoped3A : memref<!tpu.dma_semaphore, #tpu.memory_space<semaphore_mem>>)
      %dma_wait3A_81 = tpu.memref_slice %arg3[%add3A_12] : memref<131072xi32, #tpu.memory_space<hbm>> -> memref<512xi32, #tpu.memory_space<hbm>>
      %dma_wait3A_82 = tpu.memref_slice %arg3[%add3A_12] : memref<131072xi32, #tpu.memory_space<hbm>> -> memref<512xi32, #tpu.memory_space<hbm>>
      tpu.wait_dma2 semaphore(%run_scoped3A : memref<!tpu.dma_semaphore, #tpu.memory_space<semaphore_mem>>) src(%dma_wait3A_82 : memref<512xi32, #tpu.memory_space<hbm>>) dst(%arg5 : memref<512xi32, #tpu.memory_space<vmem>>)
      tpu.yield
    }) : () -> ()
    %dma_start3A_13 = arith.constant 0 : i32
    %dma_start3A_14 = arith.constant 0 : i32
    %dma_start3A_15 = tpu.memref_slice %arg2[%dma_start3A_13, %dma_start3A_14] : memref<16384x128xf32, #tpu.memory_space<hbm>> -> memref<16384x128xf32, #tpu.memory_space<hbm>>
    tpu.enqueue_indirect_dma source(%dma_start3A_15 : memref<16384x128xf32, #tpu.memory_space<hbm>>) target(%arg6 : memref<512x128xf32, #tpu.memory_space<vmem>>) offsets(%arg5 : memref<512xi32, #tpu.memory_space<vmem>>) semaphore(%arg7 : memref<!tpu.dma_semaphore, #tpu.memory_space<semaphore_mem>>)
    %dma_wait3A_16 = arith.constant 0 : i32
    %dma_wait3A_17 = arith.constant 0 : i32
    %dma_wait3A_18 = tpu.memref_slice %arg2[%dma_wait3A_16, %dma_wait3A_17] : memref<16384x128xf32, #tpu.memory_space<hbm>> -> memref<16384x128xf32, #tpu.memory_space<hbm>>
    tpu.wait_indirect_dma semaphore(%arg7 : memref<!tpu.dma_semaphore, #tpu.memory_space<semaphore_mem>>) src(%dma_wait3A_18 : memref<16384x128xf32, #tpu.memory_space<hbm>>) dst(%arg6 : memref<512x128xf32, #tpu.memory_space<vmem>>)
    "tpu.region"() ({
      %run_scoped3A = tpu.sem_alloc : memref<!tpu.dma_semaphore, #tpu.memory_space<semaphore_mem>>
      %dma_start3A_79 = arith.constant 0 : i32
      %dma_start3A_80 = tpu.memref_slice %arg4[%add3A_12, %dma_start3A_79] : memref<131072x128xf32, #tpu.memory_space<hbm>> -> memref<512x128xf32, #tpu.memory_space<hbm>>
      %dma_start3A_81 = arith.constant 0 : i32
      %dma_start3A_82 = tpu.memref_slice %arg4[%add3A_12, %dma_start3A_81] : memref<131072x128xf32, #tpu.memory_space<hbm>> -> memref<512x128xf32, #tpu.memory_space<hbm>>
      tpu.enqueue_dma source(%arg6 : memref<512x128xf32, #tpu.memory_space<vmem>>) target(%dma_start3A_82 : memref<512x128xf32, #tpu.memory_space<hbm>>) target_semaphore(%run_scoped3A : memref<!tpu.dma_semaphore, #tpu.memory_space<semaphore_mem>>)
      %dma_wait3A_83 = arith.constant 0 : i32
      %dma_wait3A_84 = tpu.memref_slice %arg4[%add3A_12, %dma_wait3A_83] : memref<131072x128xf32, #tpu.memory_space<hbm>> -> memref<512x128xf32, #tpu.memory_space<hbm>>
      %dma_wait3A_85 = arith.constant 0 : i32
      %dma_wait3A_86 = tpu.memref_slice %arg4[%add3A_12, %dma_wait3A_85] : memref<131072x128xf32, #tpu.memory_space<hbm>> -> memref<512x128xf32, #tpu.memory_space<hbm>>
      tpu.wait_dma2 semaphore(%run_scoped3A : memref<!tpu.dma_semaphore, #tpu.memory_space<semaphore_mem>>) src(%arg6 : memref<512x128xf32, #tpu.memory_space<vmem>>) dst(%dma_wait3A_86 : memref<512x128xf32, #tpu.memory_space<hbm>>)
      tpu.yield
    }) : () -> ()
    %mul3A_19 = arith.constant 4096 : i32
    %mul3A_20 = arith.muli %add3A, %mul3A_19 : i32
    %add3A_21 = arith.constant 1024 : i32
    %add3A_22 = arith.addi %mul3A_20, %add3A_21 : i32
    "tpu.region"() ({
      %run_scoped3A = tpu.sem_alloc : memref<!tpu.dma_semaphore, #tpu.memory_space<semaphore_mem>>
      %dma_start3A_79 = tpu.memref_slice %arg3[%add3A_22] : memref<131072xi32, #tpu.memory_space<hbm>> -> memref<512xi32, #tpu.memory_space<hbm>>
      %dma_start3A_80 = tpu.memref_slice %arg3[%add3A_22] : memref<131072xi32, #tpu.memory_space<hbm>> -> memref<512xi32, #tpu.memory_space<hbm>>
      tpu.enqueue_dma source(%dma_start3A_80 : memref<512xi32, #tpu.memory_space<hbm>>) target(%arg5 : memref<512xi32, #tpu.memory_space<vmem>>) target_semaphore(%run_scoped3A : memref<!tpu.dma_semaphore, #tpu.memory_space<semaphore_mem>>)
      %dma_wait3A_81 = tpu.memref_slice %arg3[%add3A_22] : memref<131072xi32, #tpu.memory_space<hbm>> -> memref<512xi32, #tpu.memory_space<hbm>>
      %dma_wait3A_82 = tpu.memref_slice %arg3[%add3A_22] : memref<131072xi32, #tpu.memory_space<hbm>> -> memref<512xi32, #tpu.memory_space<hbm>>
      tpu.wait_dma2 semaphore(%run_scoped3A : memref<!tpu.dma_semaphore, #tpu.memory_space<semaphore_mem>>) src(%dma_wait3A_82 : memref<512xi32, #tpu.memory_space<hbm>>) dst(%arg5 : memref<512xi32, #tpu.memory_space<vmem>>)
      tpu.yield
    }) : () -> ()
    %dma_start3A_23 = arith.constant 0 : i32
    %dma_start3A_24 = arith.constant 0 : i32
    %dma_start3A_25 = tpu.memref_slice %arg2[%dma_start3A_23, %dma_start3A_24] : memref<16384x128xf32, #tpu.memory_space<hbm>> -> memref<16384x128xf32, #tpu.memory_space<hbm>>
    tpu.enqueue_indirect_dma source(%dma_start3A_25 : memref<16384x128xf32, #tpu.memory_space<hbm>>) target(%arg6 : memref<512x128xf32, #tpu.memory_space<vmem>>) offsets(%arg5 : memref<512xi32, #tpu.memory_space<vmem>>) semaphore(%arg7 : memref<!tpu.dma_semaphore, #tpu.memory_space<semaphore_mem>>)
    %dma_wait3A_26 = arith.constant 0 : i32
    %dma_wait3A_27 = arith.constant 0 : i32
    %dma_wait3A_28 = tpu.memref_slice %arg2[%dma_wait3A_26, %dma_wait3A_27] : memref<16384x128xf32, #tpu.memory_space<hbm>> -> memref<16384x128xf32, #tpu.memory_space<hbm>>
    tpu.wait_indirect_dma semaphore(%arg7 : memref<!tpu.dma_semaphore, #tpu.memory_space<semaphore_mem>>) src(%dma_wait3A_28 : memref<16384x128xf32, #tpu.memory_space<hbm>>) dst(%arg6 : memref<512x128xf32, #tpu.memory_space<vmem>>)
    "tpu.region"() ({
      %run_scoped3A = tpu.sem_alloc : memref<!tpu.dma_semaphore, #tpu.memory_space<semaphore_mem>>
      %dma_start3A_79 = arith.constant 0 : i32
      %dma_start3A_80 = tpu.memref_slice %arg4[%add3A_22, %dma_start3A_79] : memref<131072x128xf32, #tpu.memory_space<hbm>> -> memref<512x128xf32, #tpu.memory_space<hbm>>
      %dma_start3A_81 = arith.constant 0 : i32
      %dma_start3A_82 = tpu.memref_slice %arg4[%add3A_22, %dma_start3A_81] : memref<131072x128xf32, #tpu.memory_space<hbm>> -> memref<512x128xf32, #tpu.memory_space<hbm>>
      tpu.enqueue_dma source(%arg6 : memref<512x128xf32, #tpu.memory_space<vmem>>) target(%dma_start3A_82 : memref<512x128xf32, #tpu.memory_space<hbm>>) target_semaphore(%run_scoped3A : memref<!tpu.dma_semaphore, #tpu.memory_space<semaphore_mem>>)
      %dma_wait3A_83 = arith.constant 0 : i32
      %dma_wait3A_84 = tpu.memref_slice %arg4[%add3A_22, %dma_wait3A_83] : memref<131072x128xf32, #tpu.memory_space<hbm>> -> memref<512x128xf32, #tpu.memory_space<hbm>>
      %dma_wait3A_85 = arith.constant 0 : i32
      %dma_wait3A_86 = tpu.memref_slice %arg4[%add3A_22, %dma_wait3A_85] : memref<131072x128xf32, #tpu.memory_space<hbm>> -> memref<512x128xf32, #tpu.memory_space<hbm>>
      tpu.wait_dma2 semaphore(%run_scoped3A : memref<!tpu.dma_semaphore, #tpu.memory_space<semaphore_mem>>) src(%arg6 : memref<512x128xf32, #tpu.memory_space<vmem>>) dst(%dma_wait3A_86 : memref<512x128xf32, #tpu.memory_space<hbm>>)
      tpu.yield
    }) : () -> ()
    %mul3A_29 = arith.constant 4096 : i32
    %mul3A_30 = arith.muli %add3A, %mul3A_29 : i32
    %add3A_31 = arith.constant 1536 : i32
    %add3A_32 = arith.addi %mul3A_30, %add3A_31 : i32
    "tpu.region"() ({
      %run_scoped3A = tpu.sem_alloc : memref<!tpu.dma_semaphore, #tpu.memory_space<semaphore_mem>>
      %dma_start3A_79 = tpu.memref_slice %arg3[%add3A_32] : memref<131072xi32, #tpu.memory_space<hbm>> -> memref<512xi32, #tpu.memory_space<hbm>>
      %dma_start3A_80 = tpu.memref_slice %arg3[%add3A_32] : memref<131072xi32, #tpu.memory_space<hbm>> -> memref<512xi32, #tpu.memory_space<hbm>>
      tpu.enqueue_dma source(%dma_start3A_80 : memref<512xi32, #tpu.memory_space<hbm>>) target(%arg5 : memref<512xi32, #tpu.memory_space<vmem>>) target_semaphore(%run_scoped3A : memref<!tpu.dma_semaphore, #tpu.memory_space<semaphore_mem>>)
      %dma_wait3A_81 = tpu.memref_slice %arg3[%add3A_32] : memref<131072xi32, #tpu.memory_space<hbm>> -> memref<512xi32, #tpu.memory_space<hbm>>
      %dma_wait3A_82 = tpu.memref_slice %arg3[%add3A_32] : memref<131072xi32, #tpu.memory_space<hbm>> -> memref<512xi32, #tpu.memory_space<hbm>>
      tpu.wait_dma2 semaphore(%run_scoped3A : memref<!tpu.dma_semaphore, #tpu.memory_space<semaphore_mem>>) src(%dma_wait3A_82 : memref<512xi32, #tpu.memory_space<hbm>>) dst(%arg5 : memref<512xi32, #tpu.memory_space<vmem>>)
      tpu.yield
    }) : () -> ()
    %dma_start3A_33 = arith.constant 0 : i32
    %dma_start3A_34 = arith.constant 0 : i32
    %dma_start3A_35 = tpu.memref_slice %arg2[%dma_start3A_33, %dma_start3A_34] : memref<16384x128xf32, #tpu.memory_space<hbm>> -> memref<16384x128xf32, #tpu.memory_space<hbm>>
    tpu.enqueue_indirect_dma source(%dma_start3A_35 : memref<16384x128xf32, #tpu.memory_space<hbm>>) target(%arg6 : memref<512x128xf32, #tpu.memory_space<vmem>>) offsets(%arg5 : memref<512xi32, #tpu.memory_space<vmem>>) semaphore(%arg7 : memref<!tpu.dma_semaphore, #tpu.memory_space<semaphore_mem>>)
    %dma_wait3A_36 = arith.constant 0 : i32
    %dma_wait3A_37 = arith.constant 0 : i32
    %dma_wait3A_38 = tpu.memref_slice %arg2[%dma_wait3A_36, %dma_wait3A_37] : memref<16384x128xf32, #tpu.memory_space<hbm>> -> memref<16384x128xf32, #tpu.memory_space<hbm>>
    tpu.wait_indirect_dma semaphore(%arg7 : memref<!tpu.dma_semaphore, #tpu.memory_space<semaphore_mem>>) src(%dma_wait3A_38 : memref<16384x128xf32, #tpu.memory_space<hbm>>) dst(%arg6 : memref<512x128xf32, #tpu.memory_space<vmem>>)
    "tpu.region"() ({
      %run_scoped3A = tpu.sem_alloc : memref<!tpu.dma_semaphore, #tpu.memory_space<semaphore_mem>>
      %dma_start3A_79 = arith.constant 0 : i32
      %dma_start3A_80 = tpu.memref_slice %arg4[%add3A_32, %dma_start3A_79] : memref<131072x128xf32, #tpu.memory_space<hbm>> -> memref<512x128xf32, #tpu.memory_space<hbm>>
      %dma_start3A_81 = arith.constant 0 : i32
      %dma_start3A_82 = tpu.memref_slice %arg4[%add3A_32, %dma_start3A_81] : memref<131072x128xf32, #tpu.memory_space<hbm>> -> memref<512x128xf32, #tpu.memory_space<hbm>>
      tpu.enqueue_dma source(%arg6 : memref<512x128xf32, #tpu.memory_space<vmem>>) target(%dma_start3A_82 : memref<512x128xf32, #tpu.memory_space<hbm>>) target_semaphore(%run_scoped3A : memref<!tpu.dma_semaphore, #tpu.memory_space<semaphore_mem>>)
      %dma_wait3A_83 = arith.constant 0 : i32
      %dma_wait3A_84 = tpu.memref_slice %arg4[%add3A_32, %dma_wait3A_83] : memref<131072x128xf32, #tpu.memory_space<hbm>> -> memref<512x128xf32, #tpu.memory_space<hbm>>
      %dma_wait3A_85 = arith.constant 0 : i32
      %dma_wait3A_86 = tpu.memref_slice %arg4[%add3A_32, %dma_wait3A_85] : memref<131072x128xf32, #tpu.memory_space<hbm>> -> memref<512x128xf32, #tpu.memory_space<hbm>>
      tpu.wait_dma2 semaphore(%run_scoped3A : memref<!tpu.dma_semaphore, #tpu.memory_space<semaphore_mem>>) src(%arg6 : memref<512x128xf32, #tpu.memory_space<vmem>>) dst(%dma_wait3A_86 : memref<512x128xf32, #tpu.memory_space<hbm>>)
      tpu.yield
    }) : () -> ()
    %mul3A_39 = arith.constant 4096 : i32
    %mul3A_40 = arith.muli %add3A, %mul3A_39 : i32
    %add3A_41 = arith.constant 2048 : i32
    %add3A_42 = arith.addi %mul3A_40, %add3A_41 : i32
    "tpu.region"() ({
      %run_scoped3A = tpu.sem_alloc : memref<!tpu.dma_semaphore, #tpu.memory_space<semaphore_mem>>
      %dma_start3A_79 = tpu.memref_slice %arg3[%add3A_42] : memref<131072xi32, #tpu.memory_space<hbm>> -> memref<512xi32, #tpu.memory_space<hbm>>
      %dma_start3A_80 = tpu.memref_slice %arg3[%add3A_42] : memref<131072xi32, #tpu.memory_space<hbm>> -> memref<512xi32, #tpu.memory_space<hbm>>
      tpu.enqueue_dma source(%dma_start3A_80 : memref<512xi32, #tpu.memory_space<hbm>>) target(%arg5 : memref<512xi32, #tpu.memory_space<vmem>>) target_semaphore(%run_scoped3A : memref<!tpu.dma_semaphore, #tpu.memory_space<semaphore_mem>>)
      %dma_wait3A_81 = tpu.memref_slice %arg3[%add3A_42] : memref<131072xi32, #tpu.memory_space<hbm>> -> memref<512xi32, #tpu.memory_space<hbm>>
      %dma_wait3A_82 = tpu.memref_slice %arg3[%add3A_42] : memref<131072xi32, #tpu.memory_space<hbm>> -> memref<512xi32, #tpu.memory_space<hbm>>
      tpu.wait_dma2 semaphore(%run_scoped3A : memref<!tpu.dma_semaphore, #tpu.memory_space<semaphore_mem>>) src(%dma_wait3A_82 : memref<512xi32, #tpu.memory_space<hbm>>) dst(%arg5 : memref<512xi32, #tpu.memory_space<vmem>>)
      tpu.yield
    }) : () -> ()
    %dma_start3A_43 = arith.constant 0 : i32
    %dma_start3A_44 = arith.constant 0 : i32
    %dma_start3A_45 = tpu.memref_slice %arg2[%dma_start3A_43, %dma_start3A_44] : memref<16384x128xf32, #tpu.memory_space<hbm>> -> memref<16384x128xf32, #tpu.memory_space<hbm>>
    tpu.enqueue_indirect_dma source(%dma_start3A_45 : memref<16384x128xf32, #tpu.memory_space<hbm>>) target(%arg6 : memref<512x128xf32, #tpu.memory_space<vmem>>) offsets(%arg5 : memref<512xi32, #tpu.memory_space<vmem>>) semaphore(%arg7 : memref<!tpu.dma_semaphore, #tpu.memory_space<semaphore_mem>>)
    %dma_wait3A_46 = arith.constant 0 : i32
    %dma_wait3A_47 = arith.constant 0 : i32
    %dma_wait3A_48 = tpu.memref_slice %arg2[%dma_wait3A_46, %dma_wait3A_47] : memref<16384x128xf32, #tpu.memory_space<hbm>> -> memref<16384x128xf32, #tpu.memory_space<hbm>>
    tpu.wait_indirect_dma semaphore(%arg7 : memref<!tpu.dma_semaphore, #tpu.memory_space<semaphore_mem>>) src(%dma_wait3A_48 : memref<16384x128xf32, #tpu.memory_space<hbm>>) dst(%arg6 : memref<512x128xf32, #tpu.memory_space<vmem>>)
    "tpu.region"() ({
      %run_scoped3A = tpu.sem_alloc : memref<!tpu.dma_semaphore, #tpu.memory_space<semaphore_mem>>
      %dma_start3A_79 = arith.constant 0 : i32
      %dma_start3A_80 = tpu.memref_slice %arg4[%add3A_42, %dma_start3A_79] : memref<131072x128xf32, #tpu.memory_space<hbm>> -> memref<512x128xf32, #tpu.memory_space<hbm>>
      %dma_start3A_81 = arith.constant 0 : i32
      %dma_start3A_82 = tpu.memref_slice %arg4[%add3A_42, %dma_start3A_81] : memref<131072x128xf32, #tpu.memory_space<hbm>> -> memref<512x128xf32, #tpu.memory_space<hbm>>
      tpu.enqueue_dma source(%arg6 : memref<512x128xf32, #tpu.memory_space<vmem>>) target(%dma_start3A_82 : memref<512x128xf32, #tpu.memory_space<hbm>>) target_semaphore(%run_scoped3A : memref<!tpu.dma_semaphore, #tpu.memory_space<semaphore_mem>>)
      %dma_wait3A_83 = arith.constant 0 : i32
      %dma_wait3A_84 = tpu.memref_slice %arg4[%add3A_42, %dma_wait3A_83] : memref<131072x128xf32, #tpu.memory_space<hbm>> -> memref<512x128xf32, #tpu.memory_space<hbm>>
      %dma_wait3A_85 = arith.constant 0 : i32
      %dma_wait3A_86 = tpu.memref_slice %arg4[%add3A_42, %dma_wait3A_85] : memref<131072x128xf32, #tpu.memory_space<hbm>> -> memref<512x128xf32, #tpu.memory_space<hbm>>
      tpu.wait_dma2 semaphore(%run_scoped3A : memref<!tpu.dma_semaphore, #tpu.memory_space<semaphore_mem>>) src(%arg6 : memref<512x128xf32, #tpu.memory_space<vmem>>) dst(%dma_wait3A_86 : memref<512x128xf32, #tpu.memory_space<hbm>>)
      tpu.yield
    }) : () -> ()
    %mul3A_49 = arith.constant 4096 : i32
    %mul3A_50 = arith.muli %add3A, %mul3A_49 : i32
    %add3A_51 = arith.constant 2560 : i32
    %add3A_52 = arith.addi %mul3A_50, %add3A_51 : i32
    "tpu.region"() ({
      %run_scoped3A = tpu.sem_alloc : memref<!tpu.dma_semaphore, #tpu.memory_space<semaphore_mem>>
      %dma_start3A_79 = tpu.memref_slice %arg3[%add3A_52] : memref<131072xi32, #tpu.memory_space<hbm>> -> memref<512xi32, #tpu.memory_space<hbm>>
      %dma_start3A_80 = tpu.memref_slice %arg3[%add3A_52] : memref<131072xi32, #tpu.memory_space<hbm>> -> memref<512xi32, #tpu.memory_space<hbm>>
      tpu.enqueue_dma source(%dma_start3A_80 : memref<512xi32, #tpu.memory_space<hbm>>) target(%arg5 : memref<512xi32, #tpu.memory_space<vmem>>) target_semaphore(%run_scoped3A : memref<!tpu.dma_semaphore, #tpu.memory_space<semaphore_mem>>)
      %dma_wait3A_81 = tpu.memref_slice %arg3[%add3A_52] : memref<131072xi32, #tpu.memory_space<hbm>> -> memref<512xi32, #tpu.memory_space<hbm>>
      %dma_wait3A_82 = tpu.memref_slice %arg3[%add3A_52] : memref<131072xi32, #tpu.memory_space<hbm>> -> memref<512xi32, #tpu.memory_space<hbm>>
      tpu.wait_dma2 semaphore(%run_scoped3A : memref<!tpu.dma_semaphore, #tpu.memory_space<semaphore_mem>>) src(%dma_wait3A_82 : memref<512xi32, #tpu.memory_space<hbm>>) dst(%arg5 : memref<512xi32, #tpu.memory_space<vmem>>)
      tpu.yield
    }) : () -> ()
    %dma_start3A_53 = arith.constant 0 : i32
    %dma_start3A_54 = arith.constant 0 : i32
    %dma_start3A_55 = tpu.memref_slice %arg2[%dma_start3A_53, %dma_start3A_54] : memref<16384x128xf32, #tpu.memory_space<hbm>> -> memref<16384x128xf32, #tpu.memory_space<hbm>>
    tpu.enqueue_indirect_dma source(%dma_start3A_55 : memref<16384x128xf32, #tpu.memory_space<hbm>>) target(%arg6 : memref<512x128xf32, #tpu.memory_space<vmem>>) offsets(%arg5 : memref<512xi32, #tpu.memory_space<vmem>>) semaphore(%arg7 : memref<!tpu.dma_semaphore, #tpu.memory_space<semaphore_mem>>)
    %dma_wait3A_56 = arith.constant 0 : i32
    %dma_wait3A_57 = arith.constant 0 : i32
    %dma_wait3A_58 = tpu.memref_slice %arg2[%dma_wait3A_56, %dma_wait3A_57] : memref<16384x128xf32, #tpu.memory_space<hbm>> -> memref<16384x128xf32, #tpu.memory_space<hbm>>
    tpu.wait_indirect_dma semaphore(%arg7 : memref<!tpu.dma_semaphore, #tpu.memory_space<semaphore_mem>>) src(%dma_wait3A_58 : memref<16384x128xf32, #tpu.memory_space<hbm>>) dst(%arg6 : memref<512x128xf32, #tpu.memory_space<vmem>>)
    "tpu.region"() ({
      %run_scoped3A = tpu.sem_alloc : memref<!tpu.dma_semaphore, #tpu.memory_space<semaphore_mem>>
      %dma_start3A_79 = arith.constant 0 : i32
      %dma_start3A_80 = tpu.memref_slice %arg4[%add3A_52, %dma_start3A_79] : memref<131072x128xf32, #tpu.memory_space<hbm>> -> memref<512x128xf32, #tpu.memory_space<hbm>>
      %dma_start3A_81 = arith.constant 0 : i32
      %dma_start3A_82 = tpu.memref_slice %arg4[%add3A_52, %dma_start3A_81] : memref<131072x128xf32, #tpu.memory_space<hbm>> -> memref<512x128xf32, #tpu.memory_space<hbm>>
      tpu.enqueue_dma source(%arg6 : memref<512x128xf32, #tpu.memory_space<vmem>>) target(%dma_start3A_82 : memref<512x128xf32, #tpu.memory_space<hbm>>) target_semaphore(%run_scoped3A : memref<!tpu.dma_semaphore, #tpu.memory_space<semaphore_mem>>)
      %dma_wait3A_83 = arith.constant 0 : i32
      %dma_wait3A_84 = tpu.memref_slice %arg4[%add3A_52, %dma_wait3A_83] : memref<131072x128xf32, #tpu.memory_space<hbm>> -> memref<512x128xf32, #tpu.memory_space<hbm>>
      %dma_wait3A_85 = arith.constant 0 : i32
      %dma_wait3A_86 = tpu.memref_slice %arg4[%add3A_52, %dma_wait3A_85] : memref<131072x128xf32, #tpu.memory_space<hbm>> -> memref<512x128xf32, #tpu.memory_space<hbm>>
      tpu.wait_dma2 semaphore(%run_scoped3A : memref<!tpu.dma_semaphore, #tpu.memory_space<semaphore_mem>>) src(%arg6 : memref<512x128xf32, #tpu.memory_space<vmem>>) dst(%dma_wait3A_86 : memref<512x128xf32, #tpu.memory_space<hbm>>)
      tpu.yield
    }) : () -> ()
    %mul3A_59 = arith.constant 4096 : i32
    %mul3A_60 = arith.muli %add3A, %mul3A_59 : i32
    %add3A_61 = arith.constant 3072 : i32
    %add3A_62 = arith.addi %mul3A_60, %add3A_61 : i32
    "tpu.region"() ({
      %run_scoped3A = tpu.sem_alloc : memref<!tpu.dma_semaphore, #tpu.memory_space<semaphore_mem>>
      %dma_start3A_79 = tpu.memref_slice %arg3[%add3A_62] : memref<131072xi32, #tpu.memory_space<hbm>> -> memref<512xi32, #tpu.memory_space<hbm>>
      %dma_start3A_80 = tpu.memref_slice %arg3[%add3A_62] : memref<131072xi32, #tpu.memory_space<hbm>> -> memref<512xi32, #tpu.memory_space<hbm>>
      tpu.enqueue_dma source(%dma_start3A_80 : memref<512xi32, #tpu.memory_space<hbm>>) target(%arg5 : memref<512xi32, #tpu.memory_space<vmem>>) target_semaphore(%run_scoped3A : memref<!tpu.dma_semaphore, #tpu.memory_space<semaphore_mem>>)
      %dma_wait3A_81 = tpu.memref_slice %arg3[%add3A_62] : memref<131072xi32, #tpu.memory_space<hbm>> -> memref<512xi32, #tpu.memory_space<hbm>>
      %dma_wait3A_82 = tpu.memref_slice %arg3[%add3A_62] : memref<131072xi32, #tpu.memory_space<hbm>> -> memref<512xi32, #tpu.memory_space<hbm>>
      tpu.wait_dma2 semaphore(%run_scoped3A : memref<!tpu.dma_semaphore, #tpu.memory_space<semaphore_mem>>) src(%dma_wait3A_82 : memref<512xi32, #tpu.memory_space<hbm>>) dst(%arg5 : memref<512xi32, #tpu.memory_space<vmem>>)
      tpu.yield
    }) : () -> ()
    %dma_start3A_63 = arith.constant 0 : i32
    %dma_start3A_64 = arith.constant 0 : i32
    %dma_start3A_65 = tpu.memref_slice %arg2[%dma_start3A_63, %dma_start3A_64] : memref<16384x128xf32, #tpu.memory_space<hbm>> -> memref<16384x128xf32, #tpu.memory_space<hbm>>
    tpu.enqueue_indirect_dma source(%dma_start3A_65 : memref<16384x128xf32, #tpu.memory_space<hbm>>) target(%arg6 : memref<512x128xf32, #tpu.memory_space<vmem>>) offsets(%arg5 : memref<512xi32, #tpu.memory_space<vmem>>) semaphore(%arg7 : memref<!tpu.dma_semaphore, #tpu.memory_space<semaphore_mem>>)
    %dma_wait3A_66 = arith.constant 0 : i32
    %dma_wait3A_67 = arith.constant 0 : i32
    %dma_wait3A_68 = tpu.memref_slice %arg2[%dma_wait3A_66, %dma_wait3A_67] : memref<16384x128xf32, #tpu.memory_space<hbm>> -> memref<16384x128xf32, #tpu.memory_space<hbm>>
    tpu.wait_indirect_dma semaphore(%arg7 : memref<!tpu.dma_semaphore, #tpu.memory_space<semaphore_mem>>) src(%dma_wait3A_68 : memref<16384x128xf32, #tpu.memory_space<hbm>>) dst(%arg6 : memref<512x128xf32, #tpu.memory_space<vmem>>)
    "tpu.region"() ({
      %run_scoped3A = tpu.sem_alloc : memref<!tpu.dma_semaphore, #tpu.memory_space<semaphore_mem>>
      %dma_start3A_79 = arith.constant 0 : i32
      %dma_start3A_80 = tpu.memref_slice %arg4[%add3A_62, %dma_start3A_79] : memref<131072x128xf32, #tpu.memory_space<hbm>> -> memref<512x128xf32, #tpu.memory_space<hbm>>
      %dma_start3A_81 = arith.constant 0 : i32
      %dma_start3A_82 = tpu.memref_slice %arg4[%add3A_62, %dma_start3A_81] : memref<131072x128xf32, #tpu.memory_space<hbm>> -> memref<512x128xf32, #tpu.memory_space<hbm>>
      tpu.enqueue_dma source(%arg6 : memref<512x128xf32, #tpu.memory_space<vmem>>) target(%dma_start3A_82 : memref<512x128xf32, #tpu.memory_space<hbm>>) target_semaphore(%run_scoped3A : memref<!tpu.dma_semaphore, #tpu.memory_space<semaphore_mem>>)
      %dma_wait3A_83 = arith.constant 0 : i32
      %dma_wait3A_84 = tpu.memref_slice %arg4[%add3A_62, %dma_wait3A_83] : memref<131072x128xf32, #tpu.memory_space<hbm>> -> memref<512x128xf32, #tpu.memory_space<hbm>>
      %dma_wait3A_85 = arith.constant 0 : i32
      %dma_wait3A_86 = tpu.memref_slice %arg4[%add3A_62, %dma_wait3A_85] : memref<131072x128xf32, #tpu.memory_space<hbm>> -> memref<512x128xf32, #tpu.memory_space<hbm>>
      tpu.wait_dma2 semaphore(%run_scoped3A : memref<!tpu.dma_semaphore, #tpu.memory_space<semaphore_mem>>) src(%arg6 : memref<512x128xf32, #tpu.memory_space<vmem>>) dst(%dma_wait3A_86 : memref<512x128xf32, #tpu.memory_space<hbm>>)
      tpu.yield
    }) : () -> ()
    %mul3A_69 = arith.constant 4096 : i32
    %mul3A_70 = arith.muli %add3A, %mul3A_69 : i32
    %add3A_71 = arith.constant 3584 : i32
    %add3A_72 = arith.addi %mul3A_70, %add3A_71 : i32
    "tpu.region"() ({
      %run_scoped3A = tpu.sem_alloc : memref<!tpu.dma_semaphore, #tpu.memory_space<semaphore_mem>>
      %dma_start3A_79 = tpu.memref_slice %arg3[%add3A_72] : memref<131072xi32, #tpu.memory_space<hbm>> -> memref<512xi32, #tpu.memory_space<hbm>>
      %dma_start3A_80 = tpu.memref_slice %arg3[%add3A_72] : memref<131072xi32, #tpu.memory_space<hbm>> -> memref<512xi32, #tpu.memory_space<hbm>>
      tpu.enqueue_dma source(%dma_start3A_80 : memref<512xi32, #tpu.memory_space<hbm>>) target(%arg5 : memref<512xi32, #tpu.memory_space<vmem>>) target_semaphore(%run_scoped3A : memref<!tpu.dma_semaphore, #tpu.memory_space<semaphore_mem>>)
      %dma_wait3A_81 = tpu.memref_slice %arg3[%add3A_72] : memref<131072xi32, #tpu.memory_space<hbm>> -> memref<512xi32, #tpu.memory_space<hbm>>
      %dma_wait3A_82 = tpu.memref_slice %arg3[%add3A_72] : memref<131072xi32, #tpu.memory_space<hbm>> -> memref<512xi32, #tpu.memory_space<hbm>>
      tpu.wait_dma2 semaphore(%run_scoped3A : memref<!tpu.dma_semaphore, #tpu.memory_space<semaphore_mem>>) src(%dma_wait3A_82 : memref<512xi32, #tpu.memory_space<hbm>>) dst(%arg5 : memref<512xi32, #tpu.memory_space<vmem>>)
      tpu.yield
    }) : () -> ()
    %dma_start3A_73 = arith.constant 0 : i32
    %dma_start3A_74 = arith.constant 0 : i32
    %dma_start3A_75 = tpu.memref_slice %arg2[%dma_start3A_73, %dma_start3A_74] : memref<16384x128xf32, #tpu.memory_space<hbm>> -> memref<16384x128xf32, #tpu.memory_space<hbm>>
    tpu.enqueue_indirect_dma source(%dma_start3A_75 : memref<16384x128xf32, #tpu.memory_space<hbm>>) target(%arg6 : memref<512x128xf32, #tpu.memory_space<vmem>>) offsets(%arg5 : memref<512xi32, #tpu.memory_space<vmem>>) semaphore(%arg7 : memref<!tpu.dma_semaphore, #tpu.memory_space<semaphore_mem>>)
    %dma_wait3A_76 = arith.constant 0 : i32
    %dma_wait3A_77 = arith.constant 0 : i32
    %dma_wait3A_78 = tpu.memref_slice %arg2[%dma_wait3A_76, %dma_wait3A_77] : memref<16384x128xf32, #tpu.memory_space<hbm>> -> memref<16384x128xf32, #tpu.memory_space<hbm>>
    tpu.wait_indirect_dma semaphore(%arg7 : memref<!tpu.dma_semaphore, #tpu.memory_space<semaphore_mem>>) src(%dma_wait3A_78 : memref<16384x128xf32, #tpu.memory_space<hbm>>) dst(%arg6 : memref<512x128xf32, #tpu.memory_space<vmem>>)
    "tpu.region"() ({
      %run_scoped3A = tpu.sem_alloc : memref<!tpu.dma_semaphore, #tpu.memory_space<semaphore_mem>>
      %dma_start3A_79 = arith.constant 0 : i32
      %dma_start3A_80 = tpu.memref_slice %arg4[%add3A_72, %dma_start3A_79] : memref<131072x128xf32, #tpu.memory_space<hbm>> -> memref<512x128xf32, #tpu.memory_space<hbm>>
      %dma_start3A_81 = arith.constant 0 : i32
      %dma_start3A_82 = tpu.memref_slice %arg4[%add3A_72, %dma_start3A_81] : memref<131072x128xf32, #tpu.memory_space<hbm>> -> memref<512x128xf32, #tpu.memory_space<hbm>>
      tpu.enqueue_dma source(%arg6 : memref<512x128xf32, #tpu.memory_space<vmem>>) target(%dma_start3A_82 : memref<512x128xf32, #tpu.memory_space<hbm>>) target_semaphore(%run_scoped3A : memref<!tpu.dma_semaphore, #tpu.memory_space<semaphore_mem>>)
      %dma_wait3A_83 = arith.constant 0 : i32
      %dma_wait3A_84 = tpu.memref_slice %arg4[%add3A_72, %dma_wait3A_83] : memref<131072x128xf32, #tpu.memory_space<hbm>> -> memref<512x128xf32, #tpu.memory_space<hbm>>
      %dma_wait3A_85 = arith.constant 0 : i32
      %dma_wait3A_86 = tpu.memref_slice %arg4[%add3A_72, %dma_wait3A_85] : memref<131072x128xf32, #tpu.memory_space<hbm>> -> memref<512x128xf32, #tpu.memory_space<hbm>>
      tpu.wait_dma2 semaphore(%run_scoped3A : memref<!tpu.dma_semaphore, #tpu.memory_space<semaphore_mem>>) src(%arg6 : memref<512x128xf32, #tpu.memory_space<vmem>>) dst(%dma_wait3A_86 : memref<512x128xf32, #tpu.memory_space<hbm>>)
      tpu.yield
    }) : () -> ()
    return
  }
}

module attributes {stable_mosaic.version = 14 : i64} {
  func.func @_fps_kernel(%arg0: memref<128x128xf32, #tpu.memory_space<vmem>>, %arg1: memref<128x128xf32, #tpu.memory_space<vmem>>, %arg2: memref<128x128xf32, #tpu.memory_space<vmem>>, %arg3: memref<4096xi32, #tpu.memory_space<smem>>, %arg4: memref<3x4096xf32, #tpu.memory_space<smem>>) attributes {dimension_semantics = [], scalar_prefetch = 0 : i64, scratch_operands = 0 : i64, tpu.core_type = #tpu.core_type<tc>} {
    %iota3A = tpu.iota {dimensions = array<i32: 0>} : vector<128x128xi32>
    %mul3A = arith.constant 128 : i32
    %mul3A_0 = vector.broadcast %mul3A : i32 to vector<128x128xi32>
    %mul3A_1 = arith.muli %iota3A, %mul3A_0 : vector<128x128xi32>
    %iota3A_2 = tpu.iota {dimensions = array<i32: 1>} : vector<128x128xi32>
    %add3A = arith.addi %mul3A_1, %iota3A_2 : vector<128x128xi32>
    %iota3A_3 = tpu.iota {dimensions = array<i32: 1>} : vector<1x128xi32>
    %get3A = arith.constant 0 : index
    %get3A_4 = arith.constant 0 : index
    %get3A_5 = vector.load %arg0[%get3A, %get3A_4] : memref<128x128xf32, #tpu.memory_space<vmem>>, vector<128x128xf32>
    %get3A_6 = arith.constant 0 : index
    %get3A_7 = arith.constant 0 : index
    %get3A_8 = vector.load %arg1[%get3A_6, %get3A_7] : memref<128x128xf32, #tpu.memory_space<vmem>>, vector<128x128xf32>
    %get3A_9 = arith.constant 0 : index
    %get3A_10 = arith.constant 0 : index
    %get3A_11 = vector.load %arg2[%get3A_9, %get3A_10] : memref<128x128xf32, #tpu.memory_space<vmem>>, vector<128x128xf32>
    %swap3A = arith.constant 0 : i32
    %swap3A_12 = arith.constant 0 : index
    %swap3A_13 = memref.load %arg3[%swap3A_12] : memref<4096xi32, #tpu.memory_space<smem>>
    memref.store %swap3A, %arg3[%swap3A_12] : memref<4096xi32, #tpu.memory_space<smem>>
    %jit3A = arith.constant 0 : i32
    %jit3A_14 = arith.constant 128 : i32
    %div3A = arith.divsi %jit3A, %jit3A_14 : i32
    %sign3A = arith.constant 0 : i32
    %sign3A_15 = arith.cmpi sgt, %jit3A, %sign3A : i32
    %sign3A_16 = arith.extui %sign3A_15 : i1 to i32
    %sign3A_17 = arith.constant 0 : i32
    %sign3A_18 = arith.cmpi slt, %jit3A, %sign3A_17 : i32
    %sign3A_19 = arith.extui %sign3A_18 : i1 to i32
    %sign3A_20 = arith.subi %sign3A_16, %sign3A_19 : i32
    %sign3A_21 = arith.constant 0 : i32
    %sign3A_22 = arith.cmpi sgt, %jit3A_14, %sign3A_21 : i32
    %sign3A_23 = arith.extui %sign3A_22 : i1 to i32
    %sign3A_24 = arith.constant 0 : i32
    %sign3A_25 = arith.cmpi slt, %jit3A_14, %sign3A_24 : i32
    %sign3A_26 = arith.extui %sign3A_25 : i1 to i32
    %sign3A_27 = arith.subi %sign3A_23, %sign3A_26 : i32
    %ne3A = arith.cmpi ne, %sign3A_20, %sign3A_27 : i32
    %rem3A = arith.remsi %jit3A, %jit3A_14 : i32
    %ne3A_28 = arith.constant 0 : i32
    %ne3A_29 = arith.cmpi ne, %rem3A, %ne3A_28 : i32
    %and3A = arith.andi %ne3A, %ne3A_29 : i1
    %sub3A = arith.constant 1 : i32
    %sub3A_30 = arith.subi %div3A, %sub3A : i32
    %select_n3A = arith.select %and3A, %sub3A_30, %div3A : i32
    %jit3A_31 = arith.constant 0 : i32
    %jit3A_32 = arith.constant 128 : i32
    %eq3A = arith.constant 0 : i32
    %eq3A_33 = arith.cmpi eq, %jit3A_32, %eq3A : i32
    %jit3A_34 = arith.constant 1 : i32
    %select_n3A_35 = arith.select %eq3A_33, %jit3A_34, %jit3A_32 : i32
    %rem3A_36 = arith.remsi %jit3A_31, %select_n3A_35 : i32
    %ne3A_37 = arith.constant 0 : i32
    %ne3A_38 = arith.cmpi ne, %rem3A_36, %ne3A_37 : i32
    %lt3A = arith.constant 0 : i32
    %lt3A_39 = arith.cmpi slt, %rem3A_36, %lt3A : i32
    %lt3A_40 = arith.constant 0 : i32
    %lt3A_41 = arith.cmpi slt, %select_n3A_35, %lt3A_40 : i32
    %ne3A_42 = arith.xori %lt3A_39, %lt3A_41 : i1
    %and3A_43 = arith.andi %ne3A_42, %ne3A_38 : i1
    %add3A_44 = arith.addi %rem3A_36, %select_n3A_35 : i32
    %select_n3A_45 = arith.select %and3A_43, %add3A_44, %rem3A_36 : i32
    %get3A_46 = arith.index_cast %select_n3A : i32 to index
    %get3A_47 = arith.constant 0 : index
    %get3A_48 = vector.load %arg0[%get3A_46, %get3A_47] : memref<128x128xf32, #tpu.memory_space<vmem>>, vector<1x128xf32>
    %eq3A_49 = vector.broadcast %select_n3A_45 : i32 to vector<1x128xi32>
    %eq3A_50 = arith.cmpi eq, %iota3A_3, %eq3A_49 : vector<1x128xi32>
    %jit3A_51 = arith.constant 0.000000e+00 : f32
    %broadcast_in_dim3A = vector.broadcast %jit3A_51 : f32 to vector<1x128xf32>
    %select_n3A_52 = arith.select %eq3A_50, %get3A_48, %broadcast_in_dim3A : vector<1x128xi1>, vector<1x128xf32>
    %reduce_sum3A = vector.shape_cast %select_n3A_52 : vector<1x128xf32> to vector<1x1x128xf32>
    %reduce_sum3A_53 = arith.constant dense<0.000000e+00> : vector<1xf32>
    %reduce_sum3A_54 = vector.multi_reduction <add>, %reduce_sum3A, %reduce_sum3A_53 [1, 2] : vector<1x1x128xf32> to vector<1xf32>
    %reduce_sum3A_55 = vector.shape_cast %reduce_sum3A_54 : vector<1xf32> to vector<1x1x1xf32>
    %reduce_sum3A_56 = vector.extract %reduce_sum3A_55[0, 0, 0] : f32 from vector<1x1x1xf32>
    %jit3A_57 = arith.constant 0 : i32
    %jit3A_58 = arith.constant 128 : i32
    %div3A_59 = arith.divsi %jit3A_57, %jit3A_58 : i32
    %sign3A_60 = arith.constant 0 : i32
    %sign3A_61 = arith.cmpi sgt, %jit3A_57, %sign3A_60 : i32
    %sign3A_62 = arith.extui %sign3A_61 : i1 to i32
    %sign3A_63 = arith.constant 0 : i32
    %sign3A_64 = arith.cmpi slt, %jit3A_57, %sign3A_63 : i32
    %sign3A_65 = arith.extui %sign3A_64 : i1 to i32
    %sign3A_66 = arith.subi %sign3A_62, %sign3A_65 : i32
    %sign3A_67 = arith.constant 0 : i32
    %sign3A_68 = arith.cmpi sgt, %jit3A_58, %sign3A_67 : i32
    %sign3A_69 = arith.extui %sign3A_68 : i1 to i32
    %sign3A_70 = arith.constant 0 : i32
    %sign3A_71 = arith.cmpi slt, %jit3A_58, %sign3A_70 : i32
    %sign3A_72 = arith.extui %sign3A_71 : i1 to i32
    %sign3A_73 = arith.subi %sign3A_69, %sign3A_72 : i32
    %ne3A_74 = arith.cmpi ne, %sign3A_66, %sign3A_73 : i32
    %rem3A_75 = arith.remsi %jit3A_57, %jit3A_58 : i32
    %ne3A_76 = arith.constant 0 : i32
    %ne3A_77 = arith.cmpi ne, %rem3A_75, %ne3A_76 : i32
    %and3A_78 = arith.andi %ne3A_74, %ne3A_77 : i1
    %sub3A_79 = arith.constant 1 : i32
    %sub3A_80 = arith.subi %div3A_59, %sub3A_79 : i32
    %select_n3A_81 = arith.select %and3A_78, %sub3A_80, %div3A_59 : i32
    %jit3A_82 = arith.constant 0 : i32
    %jit3A_83 = arith.constant 128 : i32
    %eq3A_84 = arith.constant 0 : i32
    %eq3A_85 = arith.cmpi eq, %jit3A_83, %eq3A_84 : i32
    %jit3A_86 = arith.constant 1 : i32
    %select_n3A_87 = arith.select %eq3A_85, %jit3A_86, %jit3A_83 : i32
    %rem3A_88 = arith.remsi %jit3A_82, %select_n3A_87 : i32
    %ne3A_89 = arith.constant 0 : i32
    %ne3A_90 = arith.cmpi ne, %rem3A_88, %ne3A_89 : i32
    %lt3A_91 = arith.constant 0 : i32
    %lt3A_92 = arith.cmpi slt, %rem3A_88, %lt3A_91 : i32
    %lt3A_93 = arith.constant 0 : i32
    %lt3A_94 = arith.cmpi slt, %select_n3A_87, %lt3A_93 : i32
    %ne3A_95 = arith.xori %lt3A_92, %lt3A_94 : i1
    %and3A_96 = arith.andi %ne3A_95, %ne3A_90 : i1
    %add3A_97 = arith.addi %rem3A_88, %select_n3A_87 : i32
    %select_n3A_98 = arith.select %and3A_96, %add3A_97, %rem3A_88 : i32
    %get3A_99 = arith.index_cast %select_n3A_81 : i32 to index
    %get3A_100 = arith.constant 0 : index
    %get3A_101 = vector.load %arg1[%get3A_99, %get3A_100] : memref<128x128xf32, #tpu.memory_space<vmem>>, vector<1x128xf32>
    %eq3A_102 = vector.broadcast %select_n3A_98 : i32 to vector<1x128xi32>
    %eq3A_103 = arith.cmpi eq, %iota3A_3, %eq3A_102 : vector<1x128xi32>
    %jit3A_104 = arith.constant 0.000000e+00 : f32
    %broadcast_in_dim3A_105 = vector.broadcast %jit3A_104 : f32 to vector<1x128xf32>
    %select_n3A_106 = arith.select %eq3A_103, %get3A_101, %broadcast_in_dim3A_105 : vector<1x128xi1>, vector<1x128xf32>
    %reduce_sum3A_107 = vector.shape_cast %select_n3A_106 : vector<1x128xf32> to vector<1x1x128xf32>
    %reduce_sum3A_108 = arith.constant dense<0.000000e+00> : vector<1xf32>
    %reduce_sum3A_109 = vector.multi_reduction <add>, %reduce_sum3A_107, %reduce_sum3A_108 [1, 2] : vector<1x1x128xf32> to vector<1xf32>
    %reduce_sum3A_110 = vector.shape_cast %reduce_sum3A_109 : vector<1xf32> to vector<1x1x1xf32>
    %reduce_sum3A_111 = vector.extract %reduce_sum3A_110[0, 0, 0] : f32 from vector<1x1x1xf32>
    %jit3A_112 = arith.constant 0 : i32
    %jit3A_113 = arith.constant 128 : i32
    %div3A_114 = arith.divsi %jit3A_112, %jit3A_113 : i32
    %sign3A_115 = arith.constant 0 : i32
    %sign3A_116 = arith.cmpi sgt, %jit3A_112, %sign3A_115 : i32
    %sign3A_117 = arith.extui %sign3A_116 : i1 to i32
    %sign3A_118 = arith.constant 0 : i32
    %sign3A_119 = arith.cmpi slt, %jit3A_112, %sign3A_118 : i32
    %sign3A_120 = arith.extui %sign3A_119 : i1 to i32
    %sign3A_121 = arith.subi %sign3A_117, %sign3A_120 : i32
    %sign3A_122 = arith.constant 0 : i32
    %sign3A_123 = arith.cmpi sgt, %jit3A_113, %sign3A_122 : i32
    %sign3A_124 = arith.extui %sign3A_123 : i1 to i32
    %sign3A_125 = arith.constant 0 : i32
    %sign3A_126 = arith.cmpi slt, %jit3A_113, %sign3A_125 : i32
    %sign3A_127 = arith.extui %sign3A_126 : i1 to i32
    %sign3A_128 = arith.subi %sign3A_124, %sign3A_127 : i32
    %ne3A_129 = arith.cmpi ne, %sign3A_121, %sign3A_128 : i32
    %rem3A_130 = arith.remsi %jit3A_112, %jit3A_113 : i32
    %ne3A_131 = arith.constant 0 : i32
    %ne3A_132 = arith.cmpi ne, %rem3A_130, %ne3A_131 : i32
    %and3A_133 = arith.andi %ne3A_129, %ne3A_132 : i1
    %sub3A_134 = arith.constant 1 : i32
    %sub3A_135 = arith.subi %div3A_114, %sub3A_134 : i32
    %select_n3A_136 = arith.select %and3A_133, %sub3A_135, %div3A_114 : i32
    %jit3A_137 = arith.constant 0 : i32
    %jit3A_138 = arith.constant 128 : i32
    %eq3A_139 = arith.constant 0 : i32
    %eq3A_140 = arith.cmpi eq, %jit3A_138, %eq3A_139 : i32
    %jit3A_141 = arith.constant 1 : i32
    %select_n3A_142 = arith.select %eq3A_140, %jit3A_141, %jit3A_138 : i32
    %rem3A_143 = arith.remsi %jit3A_137, %select_n3A_142 : i32
    %ne3A_144 = arith.constant 0 : i32
    %ne3A_145 = arith.cmpi ne, %rem3A_143, %ne3A_144 : i32
    %lt3A_146 = arith.constant 0 : i32
    %lt3A_147 = arith.cmpi slt, %rem3A_143, %lt3A_146 : i32
    %lt3A_148 = arith.constant 0 : i32
    %lt3A_149 = arith.cmpi slt, %select_n3A_142, %lt3A_148 : i32
    %ne3A_150 = arith.xori %lt3A_147, %lt3A_149 : i1
    %and3A_151 = arith.andi %ne3A_150, %ne3A_145 : i1
    %add3A_152 = arith.addi %rem3A_143, %select_n3A_142 : i32
    %select_n3A_153 = arith.select %and3A_151, %add3A_152, %rem3A_143 : i32
    %get3A_154 = arith.index_cast %select_n3A_136 : i32 to index
    %get3A_155 = arith.constant 0 : index
    %get3A_156 = vector.load %arg2[%get3A_154, %get3A_155] : memref<128x128xf32, #tpu.memory_space<vmem>>, vector<1x128xf32>
    %eq3A_157 = vector.broadcast %select_n3A_153 : i32 to vector<1x128xi32>
    %eq3A_158 = arith.cmpi eq, %iota3A_3, %eq3A_157 : vector<1x128xi32>
    %jit3A_159 = arith.constant 0.000000e+00 : f32
    %broadcast_in_dim3A_160 = vector.broadcast %jit3A_159 : f32 to vector<1x128xf32>
    %select_n3A_161 = arith.select %eq3A_158, %get3A_156, %broadcast_in_dim3A_160 : vector<1x128xi1>, vector<1x128xf32>
    %reduce_sum3A_162 = vector.shape_cast %select_n3A_161 : vector<1x128xf32> to vector<1x1x128xf32>
    %reduce_sum3A_163 = arith.constant dense<0.000000e+00> : vector<1xf32>
    %reduce_sum3A_164 = vector.multi_reduction <add>, %reduce_sum3A_162, %reduce_sum3A_163 [1, 2] : vector<1x1x128xf32> to vector<1xf32>
    %reduce_sum3A_165 = vector.shape_cast %reduce_sum3A_164 : vector<1xf32> to vector<1x1x1xf32>
    %reduce_sum3A_166 = vector.extract %reduce_sum3A_165[0, 0, 0] : f32 from vector<1x1x1xf32>
    %swap3A_167 = arith.constant 0 : index
    %swap3A_168 = arith.constant 0 : index
    %swap3A_169 = memref.load %arg4[%swap3A_167, %swap3A_168] : memref<3x4096xf32, #tpu.memory_space<smem>>
    memref.store %reduce_sum3A_56, %arg4[%swap3A_167, %swap3A_168] : memref<3x4096xf32, #tpu.memory_space<smem>>
    %swap3A_170 = arith.constant 1 : index
    %swap3A_171 = arith.constant 0 : index
    %swap3A_172 = memref.load %arg4[%swap3A_170, %swap3A_171] : memref<3x4096xf32, #tpu.memory_space<smem>>
    memref.store %reduce_sum3A_111, %arg4[%swap3A_170, %swap3A_171] : memref<3x4096xf32, #tpu.memory_space<smem>>
    %swap3A_173 = arith.constant 2 : index
    %swap3A_174 = arith.constant 0 : index
    %swap3A_175 = memref.load %arg4[%swap3A_173, %swap3A_174] : memref<3x4096xf32, #tpu.memory_space<smem>>
    memref.store %reduce_sum3A_166, %arg4[%swap3A_173, %swap3A_174] : memref<3x4096xf32, #tpu.memory_space<smem>>
    %broadcast_in_dim3A_176 = arith.constant 1.000000e+10 : f32
    %broadcast_in_dim3A_177 = vector.broadcast %broadcast_in_dim3A_176 : f32 to vector<128x128xf32>
    %scan3A = arith.constant 1 : i32
    %scan3A_178 = arith.constant 4095 : i32
    %scan3A_179 = arith.addi %scan3A, %scan3A_178 : i32
    %scan3A_180 = arith.constant 1 : i32
    %scan3A_181:4 = scf.for %scan3A_183 = %scan3A to %scan3A_179 step %scan3A_180 iter_args(%scan3A_184 = %broadcast_in_dim3A_177, %scan3A_185 = %reduce_sum3A_56, %scan3A_186 = %reduce_sum3A_111, %scan3A_187 = %reduce_sum3A_166) -> (vector<128x128xf32>, f32, f32, f32)  : i32 {
      %sub3A_188 = vector.broadcast %scan3A_185 : f32 to vector<128x128xf32>
      %sub3A_189 = arith.subf %get3A_5, %sub3A_188 : vector<128x128xf32>
      %sub3A_190 = vector.broadcast %scan3A_186 : f32 to vector<128x128xf32>
      %sub3A_191 = arith.subf %get3A_8, %sub3A_190 : vector<128x128xf32>
      %sub3A_192 = vector.broadcast %scan3A_187 : f32 to vector<128x128xf32>
      %sub3A_193 = arith.subf %get3A_11, %sub3A_192 : vector<128x128xf32>
      %mul3A_194 = arith.mulf %sub3A_189, %sub3A_189 : vector<128x128xf32>
      %mul3A_195 = arith.mulf %sub3A_191, %sub3A_191 : vector<128x128xf32>
      %add3A_196 = arith.addf %mul3A_194, %mul3A_195 : vector<128x128xf32>
      %mul3A_197 = arith.mulf %sub3A_193, %sub3A_193 : vector<128x128xf32>
      %add3A_198 = arith.addf %add3A_196, %mul3A_197 : vector<128x128xf32>
      %min3A = arith.minimumf %scan3A_184, %add3A_198 : vector<128x128xf32>
      %reduce_max3A = vector.shape_cast %min3A : vector<128x128xf32> to vector<1x128x128xf32>
      %reduce_max3A_199 = arith.constant dense<0xFF800000> : vector<1xf32>
      %reduce_max3A_200 = vector.multi_reduction <maximumf>, %reduce_max3A, %reduce_max3A_199 [1, 2] : vector<1x128x128xf32> to vector<1xf32>
      %reduce_max3A_201 = vector.shape_cast %reduce_max3A_200 : vector<1xf32> to vector<1x1x1xf32>
      %reduce_max3A_202 = vector.extract %reduce_max3A_201[0, 0, 0] : f32 from vector<1x1x1xf32>
      %eq3A_203 = vector.broadcast %reduce_max3A_202 : f32 to vector<128x128xf32>
      %eq3A_204 = arith.cmpf oeq, %min3A, %eq3A_203 : vector<128x128xf32>
      %jit3A_205 = arith.constant 1073741824 : i32
      %broadcast_in_dim3A_206 = vector.broadcast %jit3A_205 : i32 to vector<128x128xi32>
      %select_n3A_207 = arith.select %eq3A_204, %add3A, %broadcast_in_dim3A_206 : vector<128x128xi1>, vector<128x128xi32>
      %reduce_min3A = vector.shape_cast %select_n3A_207 : vector<128x128xi32> to vector<1x128x128xi32>
      %reduce_min3A_208 = arith.constant dense<2147483647> : vector<1xi32>
      %reduce_min3A_209 = vector.multi_reduction <minsi>, %reduce_min3A, %reduce_min3A_208 [1, 2] : vector<1x128x128xi32> to vector<1xi32>
      %reduce_min3A_210 = vector.shape_cast %reduce_min3A_209 : vector<1xi32> to vector<1x1x1xi32>
      %reduce_min3A_211 = vector.extract %reduce_min3A_210[0, 0, 0] : i32 from vector<1x1x1xi32>
      %swap3A_212 = arith.index_cast %scan3A_183 : i32 to index
      %swap3A_213 = memref.load %arg3[%swap3A_212] : memref<4096xi32, #tpu.memory_space<smem>>
      memref.store %reduce_min3A_211, %arg3[%swap3A_212] : memref<4096xi32, #tpu.memory_space<smem>>
      %jit3A_214 = arith.constant 128 : i32
      %div3A_215 = arith.divsi %reduce_min3A_211, %jit3A_214 : i32
      %sign3A_216 = arith.constant 0 : i32
      %sign3A_217 = arith.cmpi sgt, %reduce_min3A_211, %sign3A_216 : i32
      %sign3A_218 = arith.extui %sign3A_217 : i1 to i32
      %sign3A_219 = arith.constant 0 : i32
      %sign3A_220 = arith.cmpi slt, %reduce_min3A_211, %sign3A_219 : i32
      %sign3A_221 = arith.extui %sign3A_220 : i1 to i32
      %sign3A_222 = arith.subi %sign3A_218, %sign3A_221 : i32
      %sign3A_223 = arith.constant 0 : i32
      %sign3A_224 = arith.cmpi sgt, %jit3A_214, %sign3A_223 : i32
      %sign3A_225 = arith.extui %sign3A_224 : i1 to i32
      %sign3A_226 = arith.constant 0 : i32
      %sign3A_227 = arith.cmpi slt, %jit3A_214, %sign3A_226 : i32
      %sign3A_228 = arith.extui %sign3A_227 : i1 to i32
      %sign3A_229 = arith.subi %sign3A_225, %sign3A_228 : i32
      %ne3A_230 = arith.cmpi ne, %sign3A_222, %sign3A_229 : i32
      %rem3A_231 = arith.remsi %reduce_min3A_211, %jit3A_214 : i32
      %ne3A_232 = arith.constant 0 : i32
      %ne3A_233 = arith.cmpi ne, %rem3A_231, %ne3A_232 : i32
      %and3A_234 = arith.andi %ne3A_230, %ne3A_233 : i1
      %sub3A_235 = arith.constant 1 : i32
      %sub3A_236 = arith.subi %div3A_215, %sub3A_235 : i32
      %select_n3A_237 = arith.select %and3A_234, %sub3A_236, %div3A_215 : i32
      %jit3A_238 = arith.constant 128 : i32
      %eq3A_239 = arith.constant 0 : i32
      %eq3A_240 = arith.cmpi eq, %jit3A_238, %eq3A_239 : i32
      %jit3A_241 = arith.constant 1 : i32
      %select_n3A_242 = arith.select %eq3A_240, %jit3A_241, %jit3A_238 : i32
      %rem3A_243 = arith.remsi %reduce_min3A_211, %select_n3A_242 : i32
      %ne3A_244 = arith.constant 0 : i32
      %ne3A_245 = arith.cmpi ne, %rem3A_243, %ne3A_244 : i32
      %lt3A_246 = arith.constant 0 : i32
      %lt3A_247 = arith.cmpi slt, %rem3A_243, %lt3A_246 : i32
      %lt3A_248 = arith.constant 0 : i32
      %lt3A_249 = arith.cmpi slt, %select_n3A_242, %lt3A_248 : i32
      %ne3A_250 = arith.xori %lt3A_247, %lt3A_249 : i1
      %and3A_251 = arith.andi %ne3A_250, %ne3A_245 : i1
      %add3A_252 = arith.addi %rem3A_243, %select_n3A_242 : i32
      %select_n3A_253 = arith.select %and3A_251, %add3A_252, %rem3A_243 : i32
      %get3A_254 = arith.index_cast %select_n3A_237 : i32 to index
      %get3A_255 = arith.constant 0 : index
      %get3A_256 = vector.load %arg0[%get3A_254, %get3A_255] : memref<128x128xf32, #tpu.memory_space<vmem>>, vector<1x128xf32>
      %eq3A_257 = vector.broadcast %select_n3A_253 : i32 to vector<1x128xi32>
      %eq3A_258 = arith.cmpi eq, %iota3A_3, %eq3A_257 : vector<1x128xi32>
      %jit3A_259 = arith.constant 0.000000e+00 : f32
      %broadcast_in_dim3A_260 = vector.broadcast %jit3A_259 : f32 to vector<1x128xf32>
      %select_n3A_261 = arith.select %eq3A_258, %get3A_256, %broadcast_in_dim3A_260 : vector<1x128xi1>, vector<1x128xf32>
      %reduce_sum3A_262 = vector.shape_cast %select_n3A_261 : vector<1x128xf32> to vector<1x1x128xf32>
      %reduce_sum3A_263 = arith.constant dense<0.000000e+00> : vector<1xf32>
      %reduce_sum3A_264 = vector.multi_reduction <add>, %reduce_sum3A_262, %reduce_sum3A_263 [1, 2] : vector<1x1x128xf32> to vector<1xf32>
      %reduce_sum3A_265 = vector.shape_cast %reduce_sum3A_264 : vector<1xf32> to vector<1x1x1xf32>
      %reduce_sum3A_266 = vector.extract %reduce_sum3A_265[0, 0, 0] : f32 from vector<1x1x1xf32>
      %jit3A_267 = arith.constant 128 : i32
      %div3A_268 = arith.divsi %reduce_min3A_211, %jit3A_267 : i32
      %sign3A_269 = arith.constant 0 : i32
      %sign3A_270 = arith.cmpi sgt, %reduce_min3A_211, %sign3A_269 : i32
      %sign3A_271 = arith.extui %sign3A_270 : i1 to i32
      %sign3A_272 = arith.constant 0 : i32
      %sign3A_273 = arith.cmpi slt, %reduce_min3A_211, %sign3A_272 : i32
      %sign3A_274 = arith.extui %sign3A_273 : i1 to i32
      %sign3A_275 = arith.subi %sign3A_271, %sign3A_274 : i32
      %sign3A_276 = arith.constant 0 : i32
      %sign3A_277 = arith.cmpi sgt, %jit3A_267, %sign3A_276 : i32
      %sign3A_278 = arith.extui %sign3A_277 : i1 to i32
      %sign3A_279 = arith.constant 0 : i32
      %sign3A_280 = arith.cmpi slt, %jit3A_267, %sign3A_279 : i32
      %sign3A_281 = arith.extui %sign3A_280 : i1 to i32
      %sign3A_282 = arith.subi %sign3A_278, %sign3A_281 : i32
      %ne3A_283 = arith.cmpi ne, %sign3A_275, %sign3A_282 : i32
      %rem3A_284 = arith.remsi %reduce_min3A_211, %jit3A_267 : i32
      %ne3A_285 = arith.constant 0 : i32
      %ne3A_286 = arith.cmpi ne, %rem3A_284, %ne3A_285 : i32
      %and3A_287 = arith.andi %ne3A_283, %ne3A_286 : i1
      %sub3A_288 = arith.constant 1 : i32
      %sub3A_289 = arith.subi %div3A_268, %sub3A_288 : i32
      %select_n3A_290 = arith.select %and3A_287, %sub3A_289, %div3A_268 : i32
      %jit3A_291 = arith.constant 128 : i32
      %eq3A_292 = arith.constant 0 : i32
      %eq3A_293 = arith.cmpi eq, %jit3A_291, %eq3A_292 : i32
      %jit3A_294 = arith.constant 1 : i32
      %select_n3A_295 = arith.select %eq3A_293, %jit3A_294, %jit3A_291 : i32
      %rem3A_296 = arith.remsi %reduce_min3A_211, %select_n3A_295 : i32
      %ne3A_297 = arith.constant 0 : i32
      %ne3A_298 = arith.cmpi ne, %rem3A_296, %ne3A_297 : i32
      %lt3A_299 = arith.constant 0 : i32
      %lt3A_300 = arith.cmpi slt, %rem3A_296, %lt3A_299 : i32
      %lt3A_301 = arith.constant 0 : i32
      %lt3A_302 = arith.cmpi slt, %select_n3A_295, %lt3A_301 : i32
      %ne3A_303 = arith.xori %lt3A_300, %lt3A_302 : i1
      %and3A_304 = arith.andi %ne3A_303, %ne3A_298 : i1
      %add3A_305 = arith.addi %rem3A_296, %select_n3A_295 : i32
      %select_n3A_306 = arith.select %and3A_304, %add3A_305, %rem3A_296 : i32
      %get3A_307 = arith.index_cast %select_n3A_290 : i32 to index
      %get3A_308 = arith.constant 0 : index
      %get3A_309 = vector.load %arg1[%get3A_307, %get3A_308] : memref<128x128xf32, #tpu.memory_space<vmem>>, vector<1x128xf32>
      %eq3A_310 = vector.broadcast %select_n3A_306 : i32 to vector<1x128xi32>
      %eq3A_311 = arith.cmpi eq, %iota3A_3, %eq3A_310 : vector<1x128xi32>
      %jit3A_312 = arith.constant 0.000000e+00 : f32
      %broadcast_in_dim3A_313 = vector.broadcast %jit3A_312 : f32 to vector<1x128xf32>
      %select_n3A_314 = arith.select %eq3A_311, %get3A_309, %broadcast_in_dim3A_313 : vector<1x128xi1>, vector<1x128xf32>
      %reduce_sum3A_315 = vector.shape_cast %select_n3A_314 : vector<1x128xf32> to vector<1x1x128xf32>
      %reduce_sum3A_316 = arith.constant dense<0.000000e+00> : vector<1xf32>
      %reduce_sum3A_317 = vector.multi_reduction <add>, %reduce_sum3A_315, %reduce_sum3A_316 [1, 2] : vector<1x1x128xf32> to vector<1xf32>
      %reduce_sum3A_318 = vector.shape_cast %reduce_sum3A_317 : vector<1xf32> to vector<1x1x1xf32>
      %reduce_sum3A_319 = vector.extract %reduce_sum3A_318[0, 0, 0] : f32 from vector<1x1x1xf32>
      %jit3A_320 = arith.constant 128 : i32
      %div3A_321 = arith.divsi %reduce_min3A_211, %jit3A_320 : i32
      %sign3A_322 = arith.constant 0 : i32
      %sign3A_323 = arith.cmpi sgt, %reduce_min3A_211, %sign3A_322 : i32
      %sign3A_324 = arith.extui %sign3A_323 : i1 to i32
      %sign3A_325 = arith.constant 0 : i32
      %sign3A_326 = arith.cmpi slt, %reduce_min3A_211, %sign3A_325 : i32
      %sign3A_327 = arith.extui %sign3A_326 : i1 to i32
      %sign3A_328 = arith.subi %sign3A_324, %sign3A_327 : i32
      %sign3A_329 = arith.constant 0 : i32
      %sign3A_330 = arith.cmpi sgt, %jit3A_320, %sign3A_329 : i32
      %sign3A_331 = arith.extui %sign3A_330 : i1 to i32
      %sign3A_332 = arith.constant 0 : i32
      %sign3A_333 = arith.cmpi slt, %jit3A_320, %sign3A_332 : i32
      %sign3A_334 = arith.extui %sign3A_333 : i1 to i32
      %sign3A_335 = arith.subi %sign3A_331, %sign3A_334 : i32
      %ne3A_336 = arith.cmpi ne, %sign3A_328, %sign3A_335 : i32
      %rem3A_337 = arith.remsi %reduce_min3A_211, %jit3A_320 : i32
      %ne3A_338 = arith.constant 0 : i32
      %ne3A_339 = arith.cmpi ne, %rem3A_337, %ne3A_338 : i32
      %and3A_340 = arith.andi %ne3A_336, %ne3A_339 : i1
      %sub3A_341 = arith.constant 1 : i32
      %sub3A_342 = arith.subi %div3A_321, %sub3A_341 : i32
      %select_n3A_343 = arith.select %and3A_340, %sub3A_342, %div3A_321 : i32
      %jit3A_344 = arith.constant 128 : i32
      %eq3A_345 = arith.constant 0 : i32
      %eq3A_346 = arith.cmpi eq, %jit3A_344, %eq3A_345 : i32
      %jit3A_347 = arith.constant 1 : i32
      %select_n3A_348 = arith.select %eq3A_346, %jit3A_347, %jit3A_344 : i32
      %rem3A_349 = arith.remsi %reduce_min3A_211, %select_n3A_348 : i32
      %ne3A_350 = arith.constant 0 : i32
      %ne3A_351 = arith.cmpi ne, %rem3A_349, %ne3A_350 : i32
      %lt3A_352 = arith.constant 0 : i32
      %lt3A_353 = arith.cmpi slt, %rem3A_349, %lt3A_352 : i32
      %lt3A_354 = arith.constant 0 : i32
      %lt3A_355 = arith.cmpi slt, %select_n3A_348, %lt3A_354 : i32
      %ne3A_356 = arith.xori %lt3A_353, %lt3A_355 : i1
      %and3A_357 = arith.andi %ne3A_356, %ne3A_351 : i1
      %add3A_358 = arith.addi %rem3A_349, %select_n3A_348 : i32
      %select_n3A_359 = arith.select %and3A_357, %add3A_358, %rem3A_349 : i32
      %get3A_360 = arith.index_cast %select_n3A_343 : i32 to index
      %get3A_361 = arith.constant 0 : index
      %get3A_362 = vector.load %arg2[%get3A_360, %get3A_361] : memref<128x128xf32, #tpu.memory_space<vmem>>, vector<1x128xf32>
      %eq3A_363 = vector.broadcast %select_n3A_359 : i32 to vector<1x128xi32>
      %eq3A_364 = arith.cmpi eq, %iota3A_3, %eq3A_363 : vector<1x128xi32>
      %jit3A_365 = arith.constant 0.000000e+00 : f32
      %broadcast_in_dim3A_366 = vector.broadcast %jit3A_365 : f32 to vector<1x128xf32>
      %select_n3A_367 = arith.select %eq3A_364, %get3A_362, %broadcast_in_dim3A_366 : vector<1x128xi1>, vector<1x128xf32>
      %reduce_sum3A_368 = vector.shape_cast %select_n3A_367 : vector<1x128xf32> to vector<1x1x128xf32>
      %reduce_sum3A_369 = arith.constant dense<0.000000e+00> : vector<1xf32>
      %reduce_sum3A_370 = vector.multi_reduction <add>, %reduce_sum3A_368, %reduce_sum3A_369 [1, 2] : vector<1x1x128xf32> to vector<1xf32>
      %reduce_sum3A_371 = vector.shape_cast %reduce_sum3A_370 : vector<1xf32> to vector<1x1x1xf32>
      %reduce_sum3A_372 = vector.extract %reduce_sum3A_371[0, 0, 0] : f32 from vector<1x1x1xf32>
      %swap3A_373 = arith.constant 0 : index
      %swap3A_374 = arith.index_cast %scan3A_183 : i32 to index
      %swap3A_375 = memref.load %arg4[%swap3A_373, %swap3A_374] : memref<3x4096xf32, #tpu.memory_space<smem>>
      memref.store %reduce_sum3A_266, %arg4[%swap3A_373, %swap3A_374] : memref<3x4096xf32, #tpu.memory_space<smem>>
      %swap3A_376 = arith.constant 1 : index
      %swap3A_377 = arith.index_cast %scan3A_183 : i32 to index
      %swap3A_378 = memref.load %arg4[%swap3A_376, %swap3A_377] : memref<3x4096xf32, #tpu.memory_space<smem>>
      memref.store %reduce_sum3A_319, %arg4[%swap3A_376, %swap3A_377] : memref<3x4096xf32, #tpu.memory_space<smem>>
      %swap3A_379 = arith.constant 2 : index
      %swap3A_380 = arith.index_cast %scan3A_183 : i32 to index
      %swap3A_381 = memref.load %arg4[%swap3A_379, %swap3A_380] : memref<3x4096xf32, #tpu.memory_space<smem>>
      memref.store %reduce_sum3A_372, %arg4[%swap3A_379, %swap3A_380] : memref<3x4096xf32, #tpu.memory_space<smem>>
      scf.yield %min3A, %reduce_sum3A_266, %reduce_sum3A_319, %reduce_sum3A_372 : vector<128x128xf32>, f32, f32, f32
    }
    %scan3A_182 = arith.constant 4095 : i32
    return
  }
}

module attributes {stable_mosaic.version = 14 : i64} {
  func.func @_t1_kernel(%arg0: i32, %arg1: memref<2048x128xf32, #tpu.memory_space<vmem>>, %arg2: memref<128x64xf32, #tpu.memory_space<vmem>>, %arg3: memref<512x128xf32, #tpu.memory_space<vmem>>, %arg4: memref<2048x64xf32, #tpu.memory_space<vmem>>, %arg5: memref<512x64xf32, #tpu.memory_space<vmem>>) attributes {dimension_semantics = [#tpu.dimension_semantics<arbitrary>], iteration_bounds = array<i64: 8>, scalar_prefetch = 0 : i64, scratch_operands = 0 : i64, tpu.core_type = #tpu.core_type<tc>, window_params = [{transform_indices = @transform_0, window_bounds = array<i64: 2048, 128>}, {pipeline_mode = #tpu.pipeline_mode<synchronous>, transform_indices = @transform_1, window_bounds = array<i64: 128, 64>}, {transform_indices = @transform_2, window_bounds = array<i64: 512, 128>}, {transform_indices = @transform_3, window_bounds = array<i64: 2048, 64>}, {transform_indices = @transform_4, window_bounds = array<i64: 512, 64>}]} {
    %get3A = arith.constant 0 : index
    %get3A_0 = arith.constant 0 : index
    %get3A_1 = vector.load %arg1[%get3A, %get3A_0] : memref<2048x128xf32, #tpu.memory_space<vmem>>, vector<2048x128xf32>
    %get3A_2 = arith.constant 0 : index
    %get3A_3 = arith.constant 0 : index
    %get3A_4 = vector.load %arg2[%get3A_2, %get3A_3] : memref<128x64xf32, #tpu.memory_space<vmem>>, vector<128x64xf32>
    %dot_general3A = arith.constant dense<0.000000e+00> : vector<2048x64xf32>
    %dot_general3A_5 = tpu.matmul %get3A_1, %get3A_4, %dot_general3A {dimension_numbers = #tpu.dot_dimension_numbers<[1], [0], [0], [1], [0, 0, 1, 1], [], []>, precision = #tpu.contract_precision<fp32>, transpose_lhs_hint = false} : vector<2048x128xf32>, vector<128x64xf32>, vector<2048x64xf32> -> vector<2048x64xf32>
    %swap3A = arith.constant 0 : index
    %swap3A_6 = arith.constant 0 : index
    %swap3A_7 = vector.load %arg4[%swap3A, %swap3A_6] : memref<2048x64xf32, #tpu.memory_space<vmem>>, vector<2048x64xf32>
    tpu.vector_store %arg4[%swap3A, %swap3A_6], %dot_general3A_5 {strides = array<i32>} : memref<2048x64xf32, #tpu.memory_space<vmem>>, vector<2048x64xf32>,
    %get3A_8 = arith.constant 0 : index
    %get3A_9 = arith.constant 0 : index
    %get3A_10 = vector.load %arg3[%get3A_8, %get3A_9] : memref<512x128xf32, #tpu.memory_space<vmem>>, vector<512x128xf32>
    %get3A_11 = arith.constant 0 : index
    %get3A_12 = arith.constant 0 : index
    %get3A_13 = vector.load %arg2[%get3A_11, %get3A_12] : memref<128x64xf32, #tpu.memory_space<vmem>>, vector<128x64xf32>
    %dot_general3A_14 = arith.constant dense<0.000000e+00> : vector<512x64xf32>
    %dot_general3A_15 = tpu.matmul %get3A_10, %get3A_13, %dot_general3A_14 {dimension_numbers = #tpu.dot_dimension_numbers<[1], [0], [0], [1], [0, 0, 1, 1], [], []>, precision = #tpu.contract_precision<fp32>, transpose_lhs_hint = false} : vector<512x128xf32>, vector<128x64xf32>, vector<512x64xf32> -> vector<512x64xf32>
    %swap3A_16 = arith.constant 0 : index
    %swap3A_17 = arith.constant 0 : index
    %swap3A_18 = vector.load %arg5[%swap3A_16, %swap3A_17] : memref<512x64xf32, #tpu.memory_space<vmem>>, vector<512x64xf32>
    tpu.vector_store %arg5[%swap3A_16, %swap3A_17], %dot_general3A_15 {strides = array<i32>} : memref<512x64xf32, #tpu.memory_space<vmem>>, vector<512x64xf32>,
    return
  }
  func.func @transform_0(%arg0: i32) -> (i32, i32) {
    %c0_i32 = arith.constant 0 : i32
    %c0_i32_0 = arith.constant 0 : i32
    return %arg0, %c0_i32 : i32, i32
  }
  func.func @transform_1(%arg0: i32) -> (i32, i32) {
    %c0_i32 = arith.constant 0 : i32
    %c0_i32_0 = arith.constant 0 : i32
    %c0_i32_1 = arith.constant 0 : i32
    return %c0_i32, %c0_i32_0 : i32, i32
  }
  func.func @transform_2(%arg0: i32) -> (i32, i32) {
    %c0_i32 = arith.constant 0 : i32
    %c0_i32_0 = arith.constant 0 : i32
    return %arg0, %c0_i32 : i32, i32
  }
  func.func @transform_3(%arg0: i32) -> (i32, i32) {
    %c0_i32 = arith.constant 0 : i32
    %c0_i32_0 = arith.constant 0 : i32
    return %arg0, %c0_i32 : i32, i32
  }
  func.func @transform_4(%arg0: i32) -> (i32, i32) {
    %c0_i32 = arith.constant 0 : i32
    %c0_i32_0 = arith.constant 0 : i32
    return %arg0, %c0_i32 : i32, i32
  }
}

module attributes {stable_mosaic.version = 14 : i64} {
  func.func @_stats1_kernel(%arg0: i32, %arg1: memref<4096x64xf32, #tpu.memory_space<vmem>>, %arg2: memref<4096x64xf32, #tpu.memory_space<vmem>>, %arg3: memref<8x128xf32, #tpu.memory_space<vmem>>, %arg4: memref<8x128xf32, #tpu.memory_space<vmem>>) attributes {dimension_semantics = [#tpu.dimension_semantics<arbitrary>], iteration_bounds = array<i64: 32>, scalar_prefetch = 0 : i64, scratch_operands = 1 : i64, tpu.core_type = #tpu.core_type<tc>, window_params = [{transform_indices = @transform_0, window_bounds = array<i64: 4096, 64>}, {transform_indices = @transform_1, window_bounds = array<i64: 4096, 64>}, {pipeline_mode = #tpu.pipeline_mode<synchronous>, transform_indices = @transform_2, window_bounds = array<i64: 8, 128>}]} {
    %eq3A = arith.constant 0 : i32
    %eq3A_0 = arith.cmpi eq, %arg0, %eq3A : i32
    %convert_element_type3A = arith.extui %eq3A_0 : i1 to i32
    %cond3A = arith.constant 0 : i32
    %cond3A_1 = arith.cmpi ne, %convert_element_type3A, %cond3A : i32
    scf.if %cond3A_1 {
      %broadcast_in_dim3A_29 = arith.constant 0.000000e+00 : f32
      %broadcast_in_dim3A_30 = vector.broadcast %broadcast_in_dim3A_29 : f32 to vector<8x128xf32>
      %swap3A_31 = arith.constant 0 : index
      %swap3A_32 = arith.constant 0 : index
      %swap3A_33 = vector.load %arg3[%swap3A_31, %swap3A_32] : memref<8x128xf32, #tpu.memory_space<vmem>>, vector<8x128xf32>
      tpu.vector_store %arg3[%swap3A_31, %swap3A_32], %broadcast_in_dim3A_30 {strides = array<i32>} : memref<8x128xf32, #tpu.memory_space<vmem>>, vector<8x128xf32>,
    } else {
    }
    %get3A = arith.constant 0 : index
    %get3A_2 = arith.constant 0 : index
    %get3A_3 = vector.load %arg1[%get3A, %get3A_2] : memref<4096x64xf32, #tpu.memory_space<vmem>>, vector<4096x64xf32>
    %get3A_4 = arith.constant 0 : index
    %get3A_5 = arith.constant 0 : index
    %get3A_6 = vector.load %arg2[%get3A_4, %get3A_5] : memref<4096x64xf32, #tpu.memory_space<vmem>>, vector<4096x64xf32>
    %add3A = arith.addf %get3A_3, %get3A_6 : vector<4096x64xf32>
    %reduce_sum3A = arith.constant dense<0.000000e+00> : vector<64xf32>
    %reduce_sum3A_7 = vector.multi_reduction <add>, %add3A, %reduce_sum3A [0] : vector<4096x64xf32> to vector<64xf32>
    %broadcast_in_dim3A = vector.shape_cast %reduce_sum3A_7 : vector<64xf32> to vector<1x64xf32>
    %mul3A = arith.mulf %add3A, %add3A : vector<4096x64xf32>
    %reduce_sum3A_8 = arith.constant dense<0.000000e+00> : vector<64xf32>
    %reduce_sum3A_9 = vector.multi_reduction <add>, %mul3A, %reduce_sum3A_8 [0] : vector<4096x64xf32> to vector<64xf32>
    %broadcast_in_dim3A_10 = vector.shape_cast %reduce_sum3A_9 : vector<64xf32> to vector<1x64xf32>
    %get3A_11 = arith.constant 0 : index
    %get3A_12 = arith.constant 0 : index
    %get3A_13 = vector.load %arg3[%get3A_11, %get3A_12] : memref<8x128xf32, #tpu.memory_space<vmem>>, vector<1x64xf32>
    %add3A_14 = arith.addf %get3A_13, %broadcast_in_dim3A : vector<1x64xf32>
    %swap3A = arith.constant 0 : index
    %swap3A_15 = arith.constant 0 : index
    %swap3A_16 = vector.load %arg3[%swap3A, %swap3A_15] : memref<8x128xf32, #tpu.memory_space<vmem>>, vector<1x64xf32>
    tpu.vector_store %arg3[%swap3A, %swap3A_15], %add3A_14 {strides = array<i32>} : memref<8x128xf32, #tpu.memory_space<vmem>>, vector<1x64xf32>,
    %get3A_17 = arith.constant 1 : index
    %get3A_18 = arith.constant 0 : index
    %get3A_19 = vector.load %arg3[%get3A_17, %get3A_18] : memref<8x128xf32, #tpu.memory_space<vmem>>, vector<1x64xf32>
    %add3A_20 = arith.addf %get3A_19, %broadcast_in_dim3A_10 : vector<1x64xf32>
    %swap3A_21 = arith.constant 1 : index
    %swap3A_22 = arith.constant 0 : index
    %swap3A_23 = vector.load %arg3[%swap3A_21, %swap3A_22] : memref<8x128xf32, #tpu.memory_space<vmem>>, vector<1x64xf32>
    tpu.vector_store %arg3[%swap3A_21, %swap3A_22], %add3A_20 {strides = array<i32>} : memref<8x128xf32, #tpu.memory_space<vmem>>, vector<1x64xf32>,
    %eq3A_24 = arith.constant 31 : i32
    %eq3A_25 = arith.cmpi eq, %arg0, %eq3A_24 : i32
    %convert_element_type3A_26 = arith.extui %eq3A_25 : i1 to i32
    %cond3A_27 = arith.constant 0 : i32
    %cond3A_28 = arith.cmpi ne, %convert_element_type3A_26, %cond3A_27 : i32
    scf.if %cond3A_28 {
      %get3A_29 = arith.constant 0 : index
      %get3A_30 = arith.constant 0 : index
      %get3A_31 = vector.load %arg3[%get3A_29, %get3A_30] : memref<8x128xf32, #tpu.memory_space<vmem>>, vector<8x128xf32>
      %swap3A_32 = arith.constant 0 : index
      %swap3A_33 = arith.constant 0 : index
      %swap3A_34 = vector.load %arg4[%swap3A_32, %swap3A_33] : memref<8x128xf32, #tpu.memory_space<vmem>>, vector<8x128xf32>
      tpu.vector_store %arg4[%swap3A_32, %swap3A_33], %get3A_31 {strides = array<i32>} : memref<8x128xf32, #tpu.memory_space<vmem>>, vector<8x128xf32>,
    } else {
    }
    return
  }
  func.func @transform_0(%arg0: i32) -> (i32, i32) {
    %c0_i32 = arith.constant 0 : i32
    %c0_i32_0 = arith.constant 0 : i32
    return %arg0, %c0_i32 : i32, i32
  }
  func.func @transform_1(%arg0: i32) -> (i32, i32) {
    %c0_i32 = arith.constant 0 : i32
    %c0_i32_0 = arith.constant 0 : i32
    return %arg0, %c0_i32 : i32, i32
  }
  func.func @transform_2(%arg0: i32) -> (i32, i32) {
    %c0_i32 = arith.constant 0 : i32
    %c0_i32_0 = arith.constant 0 : i32
    %c0_i32_1 = arith.constant 0 : i32
    return %c0_i32, %c0_i32_0 : i32, i32
  }
}

module attributes {stable_mosaic.version = 14 : i64} {
  func.func @_l2_body(%arg0: i32, %arg1: memref<4096x64xf32, #tpu.memory_space<vmem>>, %arg2: memref<4096x64xf32, #tpu.memory_space<vmem>>, %arg3: memref<8x128xf32, #tpu.memory_space<vmem>>, %arg4: memref<8x128xf32, #tpu.memory_space<vmem>>, %arg5: memref<64x64xf32, #tpu.memory_space<vmem>>, %arg6: memref<4096x64xf32, #tpu.memory_space<vmem>>, %arg7: memref<8x128xf32, #tpu.memory_space<vmem>>, %arg8: memref<8x128xf32, #tpu.memory_space<vmem>>) attributes {dimension_semantics = [#tpu.dimension_semantics<arbitrary>], iteration_bounds = array<i64: 32>, scalar_prefetch = 0 : i64, scratch_operands = 1 : i64, tpu.core_type = #tpu.core_type<tc>, window_params = [{transform_indices = @transform_0, window_bounds = array<i64: 4096, 64>}, {transform_indices = @transform_1, window_bounds = array<i64: 4096, 64>}, {pipeline_mode = #tpu.pipeline_mode<synchronous>, transform_indices = @transform_2, window_bounds = array<i64: 8, 128>}, {pipeline_mode = #tpu.pipeline_mode<synchronous>, transform_indices = @transform_3, window_bounds = array<i64: 8, 128>}, {pipeline_mode = #tpu.pipeline_mode<synchronous>, transform_indices = @transform_4, window_bounds = array<i64: 64, 64>}, {transform_indices = @transform_5, window_bounds = array<i64: 4096, 64>}, {pipeline_mode = #tpu.pipeline_mode<synchronous>, transform_indices = @transform_6, window_bounds = array<i64: 8, 128>}]} {
    %eq3A = arith.constant 0 : i32
    %eq3A_0 = arith.cmpi eq, %arg0, %eq3A : i32
    %convert_element_type3A = arith.extui %eq3A_0 : i1 to i32
    %cond3A = arith.constant 0 : i32
    %cond3A_1 = arith.cmpi ne, %convert_element_type3A, %cond3A : i32
    scf.if %cond3A_1 {
      %broadcast_in_dim3A_72 = arith.constant 0.000000e+00 : f32
      %broadcast_in_dim3A_73 = vector.broadcast %broadcast_in_dim3A_72 : f32 to vector<8x128xf32>
      %swap3A_74 = arith.constant 0 : index
      %swap3A_75 = arith.constant 0 : index
      %swap3A_76 = vector.load %arg8[%swap3A_74, %swap3A_75] : memref<8x128xf32, #tpu.memory_space<vmem>>, vector<8x128xf32>
      tpu.vector_store %arg8[%swap3A_74, %swap3A_75], %broadcast_in_dim3A_73 {strides = array<i32>} : memref<8x128xf32, #tpu.memory_space<vmem>>, vector<8x128xf32>,
    } else {
    }
    %get3A = arith.constant 0 : index
    %get3A_2 = arith.constant 0 : index
    %get3A_3 = vector.load %arg1[%get3A, %get3A_2] : memref<4096x64xf32, #tpu.memory_space<vmem>>, vector<4096x64xf32>
    %get3A_4 = arith.constant 0 : index
    %get3A_5 = arith.constant 0 : index
    %get3A_6 = vector.load %arg2[%get3A_4, %get3A_5] : memref<4096x64xf32, #tpu.memory_space<vmem>>, vector<4096x64xf32>
    %add3A = arith.addf %get3A_3, %get3A_6 : vector<4096x64xf32>
    %get3A_7 = arith.constant 0 : index
    %get3A_8 = arith.constant 0 : index
    %get3A_9 = vector.load %arg3[%get3A_7, %get3A_8] : memref<8x128xf32, #tpu.memory_space<vmem>>, vector<1x64xf32>
    %mul3A = arith.constant 7.62939453E-6 : f32
    %mul3A_10 = vector.broadcast %mul3A : f32 to vector<1x64xf32>
    %mul3A_11 = arith.mulf %get3A_9, %mul3A_10 : vector<1x64xf32>
    %get3A_12 = arith.constant 1 : index
    %get3A_13 = arith.constant 0 : index
    %get3A_14 = vector.load %arg3[%get3A_12, %get3A_13] : memref<8x128xf32, #tpu.memory_space<vmem>>, vector<1x64xf32>
    %mul3A_15 = arith.constant 7.62939453E-6 : f32
    %mul3A_16 = vector.broadcast %mul3A_15 : f32 to vector<1x64xf32>
    %mul3A_17 = arith.mulf %get3A_14, %mul3A_16 : vector<1x64xf32>
    %mul3A_18 = arith.mulf %mul3A_11, %mul3A_11 : vector<1x64xf32>
    %sub3A = arith.subf %mul3A_17, %mul3A_18 : vector<1x64xf32>
    %add3A_19 = arith.constant 9.99999974E-6 : f32
    %add3A_20 = vector.broadcast %add3A_19 : f32 to vector<1x64xf32>
    %add3A_21 = arith.addf %sub3A, %add3A_20 : vector<1x64xf32>
    %rsqrt3A = math.rsqrt %add3A_21 : vector<1x64xf32>
    %get3A_22 = arith.constant 0 : index
    %get3A_23 = arith.constant 0 : index
    %get3A_24 = vector.load %arg4[%get3A_22, %get3A_23] : memref<8x128xf32, #tpu.memory_space<vmem>>, vector<1x64xf32>
    %get3A_25 = arith.constant 1 : index
    %get3A_26 = arith.constant 0 : index
    %get3A_27 = vector.load %arg4[%get3A_25, %get3A_26] : memref<8x128xf32, #tpu.memory_space<vmem>>, vector<1x64xf32>
    %sub3A_28 = vector.broadcast %mul3A_11 : vector<1x64xf32> to vector<4096x64xf32>
    %sub3A_29 = arith.subf %add3A, %sub3A_28 : vector<4096x64xf32>
    %mul3A_30 = arith.mulf %rsqrt3A, %get3A_24 : vector<1x64xf32>
    %mul3A_31 = vector.broadcast %mul3A_30 : vector<1x64xf32> to vector<4096x64xf32>
    %mul3A_32 = arith.mulf %sub3A_29, %mul3A_31 : vector<4096x64xf32>
    %add3A_33 = vector.broadcast %get3A_27 : vector<1x64xf32> to vector<4096x64xf32>
    %add3A_34 = arith.addf %mul3A_32, %add3A_33 : vector<4096x64xf32>
    %max3A = arith.constant 0.000000e+00 : f32
    %max3A_35 = vector.broadcast %max3A : f32 to vector<4096x64xf32>
    %max3A_36 = arith.maximumf %add3A_34, %max3A_35 : vector<4096x64xf32>
    %get3A_37 = arith.constant 0 : index
    %get3A_38 = arith.constant 0 : index
    %get3A_39 = vector.load %arg5[%get3A_37, %get3A_38] : memref<64x64xf32, #tpu.memory_space<vmem>>, vector<64x64xf32>
    %dot_general3A = arith.constant dense<0.000000e+00> : vector<4096x64xf32>
    %dot_general3A_40 = tpu.matmul %max3A_36, %get3A_39, %dot_general3A {dimension_numbers = #tpu.dot_dimension_numbers<[1], [0], [0], [1], [0, 0, 1, 1], [], []>, precision = #tpu.contract_precision<fp32>, transpose_lhs_hint = false} : vector<4096x64xf32>, vector<64x64xf32>, vector<4096x64xf32> -> vector<4096x64xf32>
    %get3A_41 = arith.constant 2 : index
    %get3A_42 = arith.constant 0 : index
    %get3A_43 = vector.load %arg4[%get3A_41, %get3A_42] : memref<8x128xf32, #tpu.memory_space<vmem>>, vector<1x64xf32>
    %add3A_44 = vector.broadcast %get3A_43 : vector<1x64xf32> to vector<4096x64xf32>
    %add3A_45 = arith.addf %dot_general3A_40, %add3A_44 : vector<4096x64xf32>
    %swap3A = arith.constant 0 : index
    %swap3A_46 = arith.constant 0 : index
    %swap3A_47 = vector.load %arg6[%swap3A, %swap3A_46] : memref<4096x64xf32, #tpu.memory_space<vmem>>, vector<4096x64xf32>
    tpu.vector_store %arg6[%swap3A, %swap3A_46], %add3A_45 {strides = array<i32>} : memref<4096x64xf32, #tpu.memory_space<vmem>>, vector<4096x64xf32>,
    %get3A_48 = arith.constant 0 : index
    %get3A_49 = arith.constant 0 : index
    %get3A_50 = vector.load %arg8[%get3A_48, %get3A_49] : memref<8x128xf32, #tpu.memory_space<vmem>>, vector<1x64xf32>
    %reduce_sum3A = arith.constant dense<0.000000e+00> : vector<64xf32>
    %reduce_sum3A_51 = vector.multi_reduction <add>, %add3A_45, %reduce_sum3A [0] : vector<4096x64xf32> to vector<64xf32>
    %broadcast_in_dim3A = vector.shape_cast %reduce_sum3A_51 : vector<64xf32> to vector<1x64xf32>
    %add3A_52 = arith.addf %get3A_50, %broadcast_in_dim3A : vector<1x64xf32>
    %swap3A_53 = arith.constant 0 : index
    %swap3A_54 = arith.constant 0 : index
    %swap3A_55 = vector.load %arg8[%swap3A_53, %swap3A_54] : memref<8x128xf32, #tpu.memory_space<vmem>>, vector<1x64xf32>
    tpu.vector_store %arg8[%swap3A_53, %swap3A_54], %add3A_52 {strides = array<i32>} : memref<8x128xf32, #tpu.memory_space<vmem>>, vector<1x64xf32>,
    %get3A_56 = arith.constant 1 : index
    %get3A_57 = arith.constant 0 : index
    %get3A_58 = vector.load %arg8[%get3A_56, %get3A_57] : memref<8x128xf32, #tpu.memory_space<vmem>>, vector<1x64xf32>
    %mul3A_59 = arith.mulf %add3A_45, %add3A_45 : vector<4096x64xf32>
    %reduce_sum3A_60 = arith.constant dense<0.000000e+00> : vector<64xf32>
    %reduce_sum3A_61 = vector.multi_reduction <add>, %mul3A_59, %reduce_sum3A_60 [0] : vector<4096x64xf32> to vector<64xf32>
    %broadcast_in_dim3A_62 = vector.shape_cast %reduce_sum3A_61 : vector<64xf32> to vector<1x64xf32>
    %add3A_63 = arith.addf %get3A_58, %broadcast_in_dim3A_62 : vector<1x64xf32>
    %swap3A_64 = arith.constant 1 : index
    %swap3A_65 = arith.constant 0 : index
    %swap3A_66 = vector.load %arg8[%swap3A_64, %swap3A_65] : memref<8x128xf32, #tpu.memory_space<vmem>>, vector<1x64xf32>
    tpu.vector_store %arg8[%swap3A_64, %swap3A_65], %add3A_63 {strides = array<i32>} : memref<8x128xf32, #tpu.memory_space<vmem>>, vector<1x64xf32>,
    %eq3A_67 = arith.constant 31 : i32
    %eq3A_68 = arith.cmpi eq, %arg0, %eq3A_67 : i32
    %convert_element_type3A_69 = arith.extui %eq3A_68 : i1 to i32
    %cond3A_70 = arith.constant 0 : i32
    %cond3A_71 = arith.cmpi ne, %convert_element_type3A_69, %cond3A_70 : i32
    scf.if %cond3A_71 {
      %get3A_72 = arith.constant 0 : index
      %get3A_73 = arith.constant 0 : index
      %get3A_74 = vector.load %arg8[%get3A_72, %get3A_73] : memref<8x128xf32, #tpu.memory_space<vmem>>, vector<8x128xf32>
      %swap3A_75 = arith.constant 0 : index
      %swap3A_76 = arith.constant 0 : index
      %swap3A_77 = vector.load %arg7[%swap3A_75, %swap3A_76] : memref<8x128xf32, #tpu.memory_space<vmem>>, vector<8x128xf32>
      tpu.vector_store %arg7[%swap3A_75, %swap3A_76], %get3A_74 {strides = array<i32>} : memref<8x128xf32, #tpu.memory_space<vmem>>, vector<8x128xf32>,
    } else {
    }
    return
  }
  func.func @transform_0(%arg0: i32) -> (i32, i32) {
    %c0_i32 = arith.constant 0 : i32
    %c0_i32_0 = arith.constant 0 : i32
    return %arg0, %c0_i32 : i32, i32
  }
  func.func @transform_1(%arg0: i32) -> (i32, i32) {
    %c0_i32 = arith.constant 0 : i32
    %c0_i32_0 = arith.constant 0 : i32
    return %arg0, %c0_i32 : i32, i32
  }
  func.func @transform_2(%arg0: i32) -> (i32, i32) {
    %c0_i32 = arith.constant 0 : i32
    %c0_i32_0 = arith.constant 0 : i32
    %c0_i32_1 = arith.constant 0 : i32
    return %c0_i32, %c0_i32_0 : i32, i32
  }
  func.func @transform_3(%arg0: i32) -> (i32, i32) {
    %c0_i32 = arith.constant 0 : i32
    %c0_i32_0 = arith.constant 0 : i32
    %c0_i32_1 = arith.constant 0 : i32
    return %c0_i32, %c0_i32_0 : i32, i32
  }
  func.func @transform_4(%arg0: i32) -> (i32, i32) {
    %c0_i32 = arith.constant 0 : i32
    %c0_i32_0 = arith.constant 0 : i32
    %c0_i32_1 = arith.constant 0 : i32
    return %c0_i32, %c0_i32_0 : i32, i32
  }
  func.func @transform_5(%arg0: i32) -> (i32, i32) {
    %c0_i32 = arith.constant 0 : i32
    %c0_i32_0 = arith.constant 0 : i32
    return %arg0, %c0_i32 : i32, i32
  }
  func.func @transform_6(%arg0: i32) -> (i32, i32) {
    %c0_i32 = arith.constant 0 : i32
    %c0_i32_0 = arith.constant 0 : i32
    %c0_i32_1 = arith.constant 0 : i32
    return %c0_i32, %c0_i32_0 : i32, i32
  }
}

module attributes {stable_mosaic.version = 14 : i64} {
  func.func @_l3_body(%arg0: i32, %arg1: memref<4096x64xf32, #tpu.memory_space<vmem>>, %arg2: memref<8x128xf32, #tpu.memory_space<vmem>>, %arg3: memref<8x128xf32, #tpu.memory_space<vmem>>, %arg4: memref<64x128xf32, #tpu.memory_space<vmem>>, %arg5: memref<4096x128xf32, #tpu.memory_space<vmem>>, %arg6: memref<8x128xf32, #tpu.memory_space<vmem>>, %arg7: memref<8x128xf32, #tpu.memory_space<vmem>>) attributes {dimension_semantics = [#tpu.dimension_semantics<arbitrary>], iteration_bounds = array<i64: 32>, scalar_prefetch = 0 : i64, scratch_operands = 1 : i64, tpu.core_type = #tpu.core_type<tc>, window_params = [{transform_indices = @transform_0, window_bounds = array<i64: 4096, 64>}, {pipeline_mode = #tpu.pipeline_mode<synchronous>, transform_indices = @transform_1, window_bounds = array<i64: 8, 128>}, {pipeline_mode = #tpu.pipeline_mode<synchronous>, transform_indices = @transform_2, window_bounds = array<i64: 8, 128>}, {pipeline_mode = #tpu.pipeline_mode<synchronous>, transform_indices = @transform_3, window_bounds = array<i64: 64, 128>}, {transform_indices = @transform_4, window_bounds = array<i64: 4096, 128>}, {pipeline_mode = #tpu.pipeline_mode<synchronous>, transform_indices = @transform_5, window_bounds = array<i64: 8, 128>}]} {
    %eq3A = arith.constant 0 : i32
    %eq3A_0 = arith.cmpi eq, %arg0, %eq3A : i32
    %convert_element_type3A = arith.extui %eq3A_0 : i1 to i32
    %cond3A = arith.constant 0 : i32
    %cond3A_1 = arith.cmpi ne, %convert_element_type3A, %cond3A : i32
    scf.if %cond3A_1 {
      %broadcast_in_dim3A_68 = arith.constant 0.000000e+00 : f32
      %broadcast_in_dim3A_69 = vector.broadcast %broadcast_in_dim3A_68 : f32 to vector<8x128xf32>
      %swap3A_70 = arith.constant 0 : index
      %swap3A_71 = arith.constant 0 : index
      %swap3A_72 = vector.load %arg7[%swap3A_70, %swap3A_71] : memref<8x128xf32, #tpu.memory_space<vmem>>, vector<8x128xf32>
      tpu.vector_store %arg7[%swap3A_70, %swap3A_71], %broadcast_in_dim3A_69 {strides = array<i32>} : memref<8x128xf32, #tpu.memory_space<vmem>>, vector<8x128xf32>,
    } else {
    }
    %get3A = arith.constant 0 : index
    %get3A_2 = arith.constant 0 : index
    %get3A_3 = vector.load %arg1[%get3A, %get3A_2] : memref<4096x64xf32, #tpu.memory_space<vmem>>, vector<4096x64xf32>
    %get3A_4 = arith.constant 0 : index
    %get3A_5 = arith.constant 0 : index
    %get3A_6 = vector.load %arg2[%get3A_4, %get3A_5] : memref<8x128xf32, #tpu.memory_space<vmem>>, vector<1x64xf32>
    %mul3A = arith.constant 7.62939453E-6 : f32
    %mul3A_7 = vector.broadcast %mul3A : f32 to vector<1x64xf32>
    %mul3A_8 = arith.mulf %get3A_6, %mul3A_7 : vector<1x64xf32>
    %get3A_9 = arith.constant 1 : index
    %get3A_10 = arith.constant 0 : index
    %get3A_11 = vector.load %arg2[%get3A_9, %get3A_10] : memref<8x128xf32, #tpu.memory_space<vmem>>, vector<1x64xf32>
    %mul3A_12 = arith.constant 7.62939453E-6 : f32
    %mul3A_13 = vector.broadcast %mul3A_12 : f32 to vector<1x64xf32>
    %mul3A_14 = arith.mulf %get3A_11, %mul3A_13 : vector<1x64xf32>
    %mul3A_15 = arith.mulf %mul3A_8, %mul3A_8 : vector<1x64xf32>
    %sub3A = arith.subf %mul3A_14, %mul3A_15 : vector<1x64xf32>
    %add3A = arith.constant 9.99999974E-6 : f32
    %add3A_16 = vector.broadcast %add3A : f32 to vector<1x64xf32>
    %add3A_17 = arith.addf %sub3A, %add3A_16 : vector<1x64xf32>
    %rsqrt3A = math.rsqrt %add3A_17 : vector<1x64xf32>
    %get3A_18 = arith.constant 0 : index
    %get3A_19 = arith.constant 0 : index
    %get3A_20 = vector.load %arg3[%get3A_18, %get3A_19] : memref<8x128xf32, #tpu.memory_space<vmem>>, vector<1x64xf32>
    %get3A_21 = arith.constant 1 : index
    %get3A_22 = arith.constant 0 : index
    %get3A_23 = vector.load %arg3[%get3A_21, %get3A_22] : memref<8x128xf32, #tpu.memory_space<vmem>>, vector<1x64xf32>
    %sub3A_24 = vector.broadcast %mul3A_8 : vector<1x64xf32> to vector<4096x64xf32>
    %sub3A_25 = arith.subf %get3A_3, %sub3A_24 : vector<4096x64xf32>
    %mul3A_26 = arith.mulf %rsqrt3A, %get3A_20 : vector<1x64xf32>
    %mul3A_27 = vector.broadcast %mul3A_26 : vector<1x64xf32> to vector<4096x64xf32>
    %mul3A_28 = arith.mulf %sub3A_25, %mul3A_27 : vector<4096x64xf32>
    %add3A_29 = vector.broadcast %get3A_23 : vector<1x64xf32> to vector<4096x64xf32>
    %add3A_30 = arith.addf %mul3A_28, %add3A_29 : vector<4096x64xf32>
    %max3A = arith.constant 0.000000e+00 : f32
    %max3A_31 = vector.broadcast %max3A : f32 to vector<4096x64xf32>
    %max3A_32 = arith.maximumf %add3A_30, %max3A_31 : vector<4096x64xf32>
    %get3A_33 = arith.constant 0 : index
    %get3A_34 = arith.constant 0 : index
    %get3A_35 = vector.load %arg4[%get3A_33, %get3A_34] : memref<64x128xf32, #tpu.memory_space<vmem>>, vector<64x128xf32>
    %dot_general3A = arith.constant dense<0.000000e+00> : vector<4096x128xf32>
    %dot_general3A_36 = tpu.matmul %max3A_32, %get3A_35, %dot_general3A {dimension_numbers = #tpu.dot_dimension_numbers<[1], [0], [0], [1], [0, 0, 1, 1], [], []>, precision = #tpu.contract_precision<fp32>, transpose_lhs_hint = false} : vector<4096x64xf32>, vector<64x128xf32>, vector<4096x128xf32> -> vector<4096x128xf32>
    %get3A_37 = arith.constant 2 : index
    %get3A_38 = arith.constant 0 : index
    %get3A_39 = vector.load %arg3[%get3A_37, %get3A_38] : memref<8x128xf32, #tpu.memory_space<vmem>>, vector<1x128xf32>
    %add3A_40 = vector.broadcast %get3A_39 : vector<1x128xf32> to vector<4096x128xf32>
    %add3A_41 = arith.addf %dot_general3A_36, %add3A_40 : vector<4096x128xf32>
    %swap3A = arith.constant 0 : index
    %swap3A_42 = arith.constant 0 : index
    %swap3A_43 = vector.load %arg5[%swap3A, %swap3A_42] : memref<4096x128xf32, #tpu.memory_space<vmem>>, vector<4096x128xf32>
    tpu.vector_store %arg5[%swap3A, %swap3A_42], %add3A_41 {strides = array<i32>} : memref<4096x128xf32, #tpu.memory_space<vmem>>, vector<4096x128xf32>,
    %get3A_44 = arith.constant 0 : index
    %get3A_45 = arith.constant 0 : index
    %get3A_46 = vector.load %arg7[%get3A_44, %get3A_45] : memref<8x128xf32, #tpu.memory_space<vmem>>, vector<1x128xf32>
    %reduce_sum3A = arith.constant dense<0.000000e+00> : vector<128xf32>
    %reduce_sum3A_47 = vector.multi_reduction <add>, %add3A_41, %reduce_sum3A [0] : vector<4096x128xf32> to vector<128xf32>
    %broadcast_in_dim3A = vector.shape_cast %reduce_sum3A_47 : vector<128xf32> to vector<1x128xf32>
    %add3A_48 = arith.addf %get3A_46, %broadcast_in_dim3A : vector<1x128xf32>
    %swap3A_49 = arith.constant 0 : index
    %swap3A_50 = arith.constant 0 : index
    %swap3A_51 = vector.load %arg7[%swap3A_49, %swap3A_50] : memref<8x128xf32, #tpu.memory_space<vmem>>, vector<1x128xf32>
    tpu.vector_store %arg7[%swap3A_49, %swap3A_50], %add3A_48 {strides = array<i32>} : memref<8x128xf32, #tpu.memory_space<vmem>>, vector<1x128xf32>,
    %get3A_52 = arith.constant 1 : index
    %get3A_53 = arith.constant 0 : index
    %get3A_54 = vector.load %arg7[%get3A_52, %get3A_53] : memref<8x128xf32, #tpu.memory_space<vmem>>, vector<1x128xf32>
    %mul3A_55 = arith.mulf %add3A_41, %add3A_41 : vector<4096x128xf32>
    %reduce_sum3A_56 = arith.constant dense<0.000000e+00> : vector<128xf32>
    %reduce_sum3A_57 = vector.multi_reduction <add>, %mul3A_55, %reduce_sum3A_56 [0] : vector<4096x128xf32> to vector<128xf32>
    %broadcast_in_dim3A_58 = vector.shape_cast %reduce_sum3A_57 : vector<128xf32> to vector<1x128xf32>
    %add3A_59 = arith.addf %get3A_54, %broadcast_in_dim3A_58 : vector<1x128xf32>
    %swap3A_60 = arith.constant 1 : index
    %swap3A_61 = arith.constant 0 : index
    %swap3A_62 = vector.load %arg7[%swap3A_60, %swap3A_61] : memref<8x128xf32, #tpu.memory_space<vmem>>, vector<1x128xf32>
    tpu.vector_store %arg7[%swap3A_60, %swap3A_61], %add3A_59 {strides = array<i32>} : memref<8x128xf32, #tpu.memory_space<vmem>>, vector<1x128xf32>,
    %eq3A_63 = arith.constant 31 : i32
    %eq3A_64 = arith.cmpi eq, %arg0, %eq3A_63 : i32
    %convert_element_type3A_65 = arith.extui %eq3A_64 : i1 to i32
    %cond3A_66 = arith.constant 0 : i32
    %cond3A_67 = arith.cmpi ne, %convert_element_type3A_65, %cond3A_66 : i32
    scf.if %cond3A_67 {
      %get3A_68 = arith.constant 0 : index
      %get3A_69 = arith.constant 0 : index
      %get3A_70 = vector.load %arg7[%get3A_68, %get3A_69] : memref<8x128xf32, #tpu.memory_space<vmem>>, vector<8x128xf32>
      %swap3A_71 = arith.constant 0 : index
      %swap3A_72 = arith.constant 0 : index
      %swap3A_73 = vector.load %arg6[%swap3A_71, %swap3A_72] : memref<8x128xf32, #tpu.memory_space<vmem>>, vector<8x128xf32>
      tpu.vector_store %arg6[%swap3A_71, %swap3A_72], %get3A_70 {strides = array<i32>} : memref<8x128xf32, #tpu.memory_space<vmem>>, vector<8x128xf32>,
    } else {
    }
    return
  }
  func.func @transform_0(%arg0: i32) -> (i32, i32) {
    %c0_i32 = arith.constant 0 : i32
    %c0_i32_0 = arith.constant 0 : i32
    return %arg0, %c0_i32 : i32, i32
  }
  func.func @transform_1(%arg0: i32) -> (i32, i32) {
    %c0_i32 = arith.constant 0 : i32
    %c0_i32_0 = arith.constant 0 : i32
    %c0_i32_1 = arith.constant 0 : i32
    return %c0_i32, %c0_i32_0 : i32, i32
  }
  func.func @transform_2(%arg0: i32) -> (i32, i32) {
    %c0_i32 = arith.constant 0 : i32
    %c0_i32_0 = arith.constant 0 : i32
    %c0_i32_1 = arith.constant 0 : i32
    return %c0_i32, %c0_i32_0 : i32, i32
  }
  func.func @transform_3(%arg0: i32) -> (i32, i32) {
    %c0_i32 = arith.constant 0 : i32
    %c0_i32_0 = arith.constant 0 : i32
    %c0_i32_1 = arith.constant 0 : i32
    return %c0_i32, %c0_i32_0 : i32, i32
  }
  func.func @transform_4(%arg0: i32) -> (i32, i32) {
    %c0_i32 = arith.constant 0 : i32
    %c0_i32_0 = arith.constant 0 : i32
    return %arg0, %c0_i32 : i32, i32
  }
  func.func @transform_5(%arg0: i32) -> (i32, i32) {
    %c0_i32 = arith.constant 0 : i32
    %c0_i32_0 = arith.constant 0 : i32
    %c0_i32_1 = arith.constant 0 : i32
    return %c0_i32, %c0_i32_0 : i32, i32
  }
}

module attributes {stable_mosaic.version = 14 : i64} {
  func.func @_pool_kernel(%arg0: i32, %arg1: memref<4096x128xf32, #tpu.memory_space<vmem>>, %arg2: memref<8x128xf32, #tpu.memory_space<vmem>>, %arg3: memref<8x128xf32, #tpu.memory_space<vmem>>, %arg4: memref<128x128xf32, #tpu.memory_space<vmem>>) attributes {dimension_semantics = [#tpu.dimension_semantics<arbitrary>], iteration_bounds = array<i64: 32>, scalar_prefetch = 0 : i64, scratch_operands = 0 : i64, tpu.core_type = #tpu.core_type<tc>, window_params = [{transform_indices = @transform_0, window_bounds = array<i64: 4096, 128>}, {pipeline_mode = #tpu.pipeline_mode<synchronous>, transform_indices = @transform_1, window_bounds = array<i64: 8, 128>}, {pipeline_mode = #tpu.pipeline_mode<synchronous>, transform_indices = @transform_2, window_bounds = array<i64: 8, 128>}, {transform_indices = @transform_3, window_bounds = array<i64: 128, 128>}]} {
    %get3A = arith.constant 0 : index
    %get3A_0 = arith.constant 0 : index
    %get3A_1 = vector.load %arg1[%get3A, %get3A_0] : memref<4096x128xf32, #tpu.memory_space<vmem>>, vector<4096x128xf32>
    %get3A_2 = arith.constant 0 : index
    %get3A_3 = arith.constant 0 : index
    %get3A_4 = vector.load %arg2[%get3A_2, %get3A_3] : memref<8x128xf32, #tpu.memory_space<vmem>>, vector<1x128xf32>
    %mul3A = arith.constant 7.62939453E-6 : f32
    %mul3A_5 = vector.broadcast %mul3A : f32 to vector<1x128xf32>
    %mul3A_6 = arith.mulf %get3A_4, %mul3A_5 : vector<1x128xf32>
    %get3A_7 = arith.constant 1 : index
    %get3A_8 = arith.constant 0 : index
    %get3A_9 = vector.load %arg2[%get3A_7, %get3A_8] : memref<8x128xf32, #tpu.memory_space<vmem>>, vector<1x128xf32>
    %mul3A_10 = arith.constant 7.62939453E-6 : f32
    %mul3A_11 = vector.broadcast %mul3A_10 : f32 to vector<1x128xf32>
    %mul3A_12 = arith.mulf %get3A_9, %mul3A_11 : vector<1x128xf32>
    %mul3A_13 = arith.mulf %mul3A_6, %mul3A_6 : vector<1x128xf32>
    %sub3A = arith.subf %mul3A_12, %mul3A_13 : vector<1x128xf32>
    %add3A = arith.constant 9.99999974E-6 : f32
    %add3A_14 = vector.broadcast %add3A : f32 to vector<1x128xf32>
    %add3A_15 = arith.addf %sub3A, %add3A_14 : vector<1x128xf32>
    %rsqrt3A = math.rsqrt %add3A_15 : vector<1x128xf32>
    %get3A_16 = arith.constant 0 : index
    %get3A_17 = arith.constant 0 : index
    %get3A_18 = vector.load %arg3[%get3A_16, %get3A_17] : memref<8x128xf32, #tpu.memory_space<vmem>>, vector<1x128xf32>
    %get3A_19 = arith.constant 1 : index
    %get3A_20 = arith.constant 0 : index
    %get3A_21 = vector.load %arg3[%get3A_19, %get3A_20] : memref<8x128xf32, #tpu.memory_space<vmem>>, vector<1x128xf32>
    %sub3A_22 = vector.broadcast %mul3A_6 : vector<1x128xf32> to vector<4096x128xf32>
    %sub3A_23 = arith.subf %get3A_1, %sub3A_22 : vector<4096x128xf32>
    %mul3A_24 = arith.mulf %rsqrt3A, %get3A_18 : vector<1x128xf32>
    %mul3A_25 = vector.broadcast %mul3A_24 : vector<1x128xf32> to vector<4096x128xf32>
    %mul3A_26 = arith.mulf %sub3A_23, %mul3A_25 : vector<4096x128xf32>
    %add3A_27 = vector.broadcast %get3A_21 : vector<1x128xf32> to vector<4096x128xf32>
    %add3A_28 = arith.addf %mul3A_26, %add3A_27 : vector<4096x128xf32>
    %max3A = arith.constant 0.000000e+00 : f32
    %max3A_29 = vector.broadcast %max3A : f32 to vector<4096x128xf32>
    %max3A_30 = arith.maximumf %add3A_28, %max3A_29 : vector<4096x128xf32>
    %reshape3A = vector.shape_cast %max3A_30 : vector<4096x128xf32> to vector<128x32x128xf32>
    %reduce_max3A = arith.constant dense<0xFF800000> : vector<128x128xf32>
    %reduce_max3A_31 = vector.multi_reduction <maximumf>, %reshape3A, %reduce_max3A [1] : vector<128x32x128xf32> to vector<128x128xf32>
    %swap3A = arith.constant 0 : index
    %swap3A_32 = arith.constant 0 : index
    %swap3A_33 = vector.load %arg4[%swap3A, %swap3A_32] : memref<128x128xf32, #tpu.memory_space<vmem>>, vector<128x128xf32>
    tpu.vector_store %arg4[%swap3A, %swap3A_32], %reduce_max3A_31 {strides = array<i32>} : memref<128x128xf32, #tpu.memory_space<vmem>>, vector<128x128xf32>,
    return
  }
  func.func @transform_0(%arg0: i32) -> (i32, i32) {
    %c0_i32 = arith.constant 0 : i32
    %c0_i32_0 = arith.constant 0 : i32
    return %arg0, %c0_i32 : i32, i32
  }
  func.func @transform_1(%arg0: i32) -> (i32, i32) {
    %c0_i32 = arith.constant 0 : i32
    %c0_i32_0 = arith.constant 0 : i32
    %c0_i32_1 = arith.constant 0 : i32
    return %c0_i32, %c0_i32_0 : i32, i32
  }
  func.func @transform_2(%arg0: i32) -> (i32, i32) {
    %c0_i32 = arith.constant 0 : i32
    %c0_i32_0 = arith.constant 0 : i32
    %c0_i32_1 = arith.constant 0 : i32
    return %c0_i32, %c0_i32_0 : i32, i32
  }
  func.func @transform_3(%arg0: i32) -> (i32, i32) {
    %c0_i32 = arith.constant 0 : i32
    %c0_i32_0 = arith.constant 0 : i32
    return %arg0, %c0_i32 : i32, i32
  }
}

</mosaic_0001>

<sc_bundles>
// kernel: kernel.9.cloned.1.call-start
scs
__scs_entry_jumppad:
0x0: {  	(pc) =	sbr.rel $0x88, $3  }
0x1: {  	(tag) =	ssettag $0x0;
	lr =	simm.s32 $0x1  }
0x2: {  	[smem:$0x3F93] =	sst lr;
	_ =	strace $0xD0000000  }
0x3: {  	_ = 	snop  }
0x4: {  	_ = 	snop  }
0x5: {  	_ = 	snop  }
0x6: {  	_ = 	snop  }
0x7: {  	_ = 	snop  }
__scs_overlays_trampoline_lowered:
0x8: {  	[smem:$0x3FA2] =	sst s0  }
0x9: {  	[smem:$0x3FA3] =	sst s1  }
0xa: {  	[smem:$0x3FA4] =	sst s2  }
0xb: {  	[smem:$0x3FA5] =	sst s3  }
0xc: {  	[smem:$0x3FA6] =	sst s4  }
0xd: {  	[smem:$0x3FA7] =	sst s5  }
0xe: {  	[smem:$0x3FA8] =	sst s6  }
0xf: {  	[smem:$0x3FA9] =	sst s7  }
0x10: {  	[smem:$0x3FAA] =	sst s8  }
0x11: {  	[smem:$0x3FAB] =	sst s9;
	s0 =	simm.s32 @!p0 $0x0  }
0x12: {  	s1 =	sld [smem:$0x3F91];
	s0 =	simm.s32 @p0 $0x1  }
0x13: {  	[smem:$0x3FAC] =	sst s0;
	s0 =	simm.s32 @!p1 $0x0  }
0x14: {  	s2 =	sld [smem:$0x3F90];
	s0 =	simm.s32 @p1 $0x1  }
0x15: {  	[smem:$0x3FAD] =	sst s0;
	s0 =	simm.s32 @!p2 $0x0  }
0x16: {  	s3 =	sld [smem:$0x3FDB];
	s0 =	simm.s32 @p2 $0x1  }
0x17: {  	s4 =	simm.s32 $0x1BF5;
	[smem:$0x3FAF] =	sst s0  }
0x18: {  	s0 =	sld [smem:$0x3F92];
	_ =	swait.ge [sflag:s4], $0x0  }
0x19: {  	s7 =	sld [smem:$0x3F93]  }
0x1a: {  	s8 =	sadd.s32 $0xFFFFE003, lr  }
0x1b: {  	s9 =	sadd.s32 $0xFFFFFEF7, lr;
	s5 =	simm.s32 $0xFFFFFFFF;
	p2 =	slt.u32 s8, $0xFFFFF086  }
0x1c: {  	p1 =	slt.u32 s9, $0xF7A;
	s5 =	simm.s32 @!p2 $0x0  }
0x1d: {  	s5 =	simm.s32 @p1 $0x1;
	p0 =	seq.s32 s7, s2  }
0x1e: {  	s7 =	smul.u32 @!p0 $0xF7A, s2;
	p2 =	seq.s32 @!p0 s5, $0x0  }
0x1f: {  	s9 =	smul.u32 $0xF7A, s1;
	s8 =	simm.s32 @!p0 $0x1BF5;
	p2 =	por !p2, p0  }
0x20: {  	[sflag:s8] =	ssyncset.s32 @!p0 $0xFFFFF086;
	s6 =	sadd.s32 @!p0 s3, s7;
	s7 =	simm.s32 @!p0 $0x108  }
0x21: {  	s3 =	sadd.s32 s3, s9;
	s6 =	sadd.s32 @!p0 $0x88, s6;
	s7 =	simm.s32 @p2 $0x1082  }
0x22: {  	[simem:s7], [sflag:s8] =	dma.local @!p0 [hbm:s6], $0xF7A  }
0x23: {  	s9 =	sor.u32 $0xD0000000, s2;
	s6 =	simm.s32 $0x108;
	_ =	swait.ge @!p0 [sflag:s8], $0x0  }
0x24: {  	s3 =	sadd.s32 $0x88, s3;
	s6 =	simm.s32 @!p1 $0x1082;
	[sflag:s4] =	ssyncset.s32 $0xFFFFF086  }
0x25: {  	[simem:s6], [sflag:s4] =	dma.local [hbm:s3], $0xF7A  }
0x26: {  	[smem:$0x3F93] =	sst s1;
	(tag) =	ssettag s2;
	_ =	strace s9  }
0x27: {  	s1 =	sld [smem:$0x3FA3]  }
0x28: {  	s2 =	sld [smem:$0x3FA4]  }
0x29: {  	s4 =	sld [smem:$0x3FA6]  }
0x2a: {  	p0 =	seq.s32 s5, $0x0;
	s5 =	sld [smem:$0x3FA7]  }
0x2b: {  	s6 =	sld [smem:$0x3FA8]  }
0x2c: {  	s7 =	sld [smem:$0x3FA9]  }
0x2d: {  	s3 =	simm.s32 $0x108;
	s8 =	sld [smem:$0x3FAA]  }
0x2e: {  	s3 =	simm.s32 @!p0 $0x1082;
	s9 =	sld [smem:$0x3FAB]  }
0x2f: {  	lr =	sadd.s32 s0, s3;
	s0 =	sld [smem:$0x3FA2]  }
0x30: {  	s3 =	sld [smem:$0x3FA5]  }
0x31: {  	[smem:$0x3FAE] =	sst s10  }
0x32: {  	s10 =	sld [smem:$0x3FAC];
	_ =	sdelay $0x3  }
0x33: {  	p0 =	seq.s32 s10, $0x1;
	s10 =	sld [smem:$0x3FAE];
	_ =	sdelay $0x3  }
0x34: {  	[smem:$0x3FAE] =	sst s10  }
0x35: {  	s10 =	sld [smem:$0x3FAD];
	_ =	sdelay $0x3  }
0x36: {  	p1 =	seq.s32 s10, $0x1;
	s10 =	sld [smem:$0x3FAE];
	_ =	sdelay $0x3  }
0x37: {  	[smem:$0x3FAE] =	sst s10  }
0x38: {  	s10 =	sld [smem:$0x3FAF]  }
0x39: {  	_ = 	snop;
	(pc) =	sbr.ind lr, $3  }
0x3a: {  	_ = 	snop  }
0x3b: {  	_ = 	snop  }
0x3c: {  	p2 =	seq.s32 s10, $0x1;
	s10 =	sld [smem:$0x3FAE]  }
0x3d: {  	_ =	shalt  }
0x3e: {  	_ =	shalt  }
0x3f: {  	_ =	shalt  }
0x40: {  	_ =	shalt  }
0x41: {  	_ =	shalt  }
0x42: {  	_ =	shalt  }
0x43: {  	_ =	shalt  }
0x44: {  	_ =	shalt  }
0x45: {  	_ =	shalt  }
0x46: {  	_ =	shalt  }
0x47: {  	_ =	shalt  }
0x48: {  	_ =	shalt  }
0x49: {  	_ =	shalt  }
0x4a: {  	_ =	shalt  }
0x4b: {  	_ =	shalt  }
0x4c: {  	_ =	shalt  }
0x4d: {  	_ =	shalt  }
0x4e: {  	_ =	shalt  }
0x4f: {  	_ =	shalt  }
0x50: {  	_ =	shalt  }
0x51: {  	_ =	shalt  }
0x52: {  	_ =	shalt  }
0x53: {  	_ =	shalt  }
0x54: {  	_ =	shalt  }
0x55: {  	_ =	shalt  }
0x56: {  	_ =	shalt  }
0x57: {  	_ =	shalt  }
0x58: {  	_ =	shalt  }
0x59: {  	_ =	shalt  }
0x5a: {  	_ =	shalt  }
0x5b: {  	_ =	shalt  }
0x5c: {  	_ =	shalt  }
0x5d: {  	_ =	shalt  }
0x5e: {  	_ =	shalt  }
0x5f: {  	_ =	shalt  }
0x60: {  	_ =	shalt  }
0x61: {  	_ =	shalt  }
0x62: {  	_ =	shalt  }
0x63: {  	_ =	shalt  }
0x64: {  	_ =	shalt  }
0x65: {  	_ =	shalt  }
0x66: {  	_ =	shalt  }
0x67: {  	_ =	shalt  }
0x68: {  	_ =	shalt  }
0x69: {  	_ =	shalt  }
0x6a: {  	_ =	shalt  }
0x6b: {  	_ =	shalt  }
0x6c: {  	_ =	shalt  }
0x6d: {  	_ =	shalt  }
0x6e: {  	_ =	shalt  }
0x6f: {  	_ =	shalt  }
0x70: {  	_ =	shalt  }
0x71: {  	_ =	shalt  }
0x72: {  	_ =	shalt  }
0x73: {  	_ =	shalt  }
0x74: {  	_ =	shalt  }
0x75: {  	_ =	shalt  }
0x76: {  	_ =	shalt  }
0x77: {  	_ =	shalt  }
0x78: {  	_ =	shalt  }
0x79: {  	_ =	shalt  }
0x7a: {  	_ =	shalt  }
0x7b: {  	_ =	shalt  }
0x7c: {  	_ =	shalt  }
0x7d: {  	_ =	shalt  }
0x7e: {  	_ =	shalt  }
0x7f: {  	_ =	shalt  }
0x80: {  	_ =	shalt  }
0x81: {  	_ =	shalt  }
0x82: {  	_ =	shalt  }
0x83: {  	_ =	shalt  }
0x84: {  	_ =	shalt  }
0x85: {  	_ =	shalt  }
0x86: {  	_ =	shalt  }
0x87: {  	_ =	shalt  }
.Lfunc_end0:
.L_simem_size_0:
called_computation_lowered:
.L_overlay_start_0:
0x88: {  	s2 =	sld [smem:$0x3FD9]  }
0x89: {  	s3 =	sld [smem:$0x3FFE];
	_ =	sdelay $0x1  }
0x8a: {  	s1 =	srdreg.scid  }
0x8b: {  	s0 =	sand.u32 $0x1, s1  }
0x8c: {  	s14 =	sshll.u32 s0, $0xA;
	s2 =	sadd.s32 s3, s2  }
0x8d: {  	s2 =	sadd.s32 s2, s14  }
0x8e: {  	[smem:$0x3FBA] =	sst s2  }
0x8f: {  	_ = 	snop  }
0x90: {  	s2 =	sld [smem:$0x3FD0];
	_ =	sdelay $0x2  }
0x91: {  	s15 =	simm.s32 $0xA;
	s4 =	simm.s32 $0x10  }
0x92: {  	[smem:s4], [sflag:s15] =	dma.local [hbm:s2], $0x1  }
0x93: {  	_ =	swait.eq [sflag:s15], $0x1  }
0x94: {  	[sflag:s15] =	ssyncset.done $0x0  }
0x95: {  	[sflag:s15] =	ssyncadd.s32 $0xFFFFFFFF  }
0x96: {  	s16 =	sld [smem:$0x11];
	(tm) =	ssettm $0x1  }
0x97: {  	s17 =	sld [smem:$0x3FFB];
	_ =	sdelay $0x3  }
0x98: {  	_ =	strace s17  }
0x99: {  	s3 =	sld [smem:$0x3FFC];
	_ =	sdelay $0x3  }
0x9a: {  	_ =	strace s3  }
0x9b: {  	s3 =	sld [smem:$0x3FFD];
	_ =	sdelay $0x3  }
0x9c: {  	_ =	strace s3  }
0x9d: {  	_ =	strace $0x8FFFFFFF  }
0x9e: {  	s18 =	sld [smem:$0x3FDB];
	_ =	sdelay $0x1  }
0x9f: {  	s19 =	simm.s32 $_scs_section_size  }
0xa0: {  	s5 =	simm.s32 $_size__tile_overlayer_lowered;
	s6 =	simm.s32 $_tile_overlayer_lowered  }
0xa1: {  	s22 =	simm.s32 $0x1BFF;
	s21 =	sshll.u32 s6, $0x1;
	s3 =	sadd.s32 s19, s18  }
0xa2: {  	s7 =	simm.s32 $0x0;
	s20 =	sshll.u32 s5, $0x1;
	s5 =	sadd.s32 s21, s3  }
0xa3: {  	[timem:s7], [sflag:s22] =	dma.local [hbm:s5], s20  }
0xa4: {  	_ =	swait.ge [sflag:s22], s20  }
0xa5: {  	s4 =	ssub.s32 $0x0, s20;
	[sflag:s22] =	ssyncset.done $0x0  }
0xa6: {  	[sflag:s22] =	ssyncadd.s32 s4;
	_ =	sdelay $0x1  }
0xa7: {  	s23 =	simm.s32 $0x1B8B  }
0xa8: {  	_ =	swait.ge [sflag:s23], $0x1  }
0xa9: {  	[sflag:s23] =	ssyncset.done $0x0  }
0xaa: {  	s25 =	simm.s32 $0x1B8E;
	s24 =	sld [smem:$0x3FFE];
	[sflag:s23] =	ssyncadd.s32 $0xFFFFFFFF  }
0xab: {  	s26 =	simm.s32 $execute0_lowered;
	[smem:$0x3FD2] =	sst s25  }
0xac: {  	s5 =	sshll.u32 s26, $0x1;
	_ =	strace $0x80000046;
	[dreg:$0x1] =	wrdreg $0xFFFFFFFF  }
0xad: {  	s28 =	simm.s32 $_size_execute0_lowered;
	s3 =	sadd.s32 s3, s5;
	[dreg:$0x0] =	wrdreg $0x0  }
0xae: {  	s5 =	sshll.u32 s28, $0x1;
	[dreg:$0x2] =	wrdreg s3  }
0xaf: {  	[dreg:$0x3] =	wrdreg s5  }
0xb0: {  	[dreg:$0x4] =	wrdreg $0xC0  }
0xb1: {  	_ =	task [dreg:s7], $0x5FFFF  }
0xb2: {  	[dreg:$0x1] =	wrdreg $0xFFFFFFFF  }
0xb3: {  	[dreg:$0x0] =	wrdreg $0x60  }
0xb4: {  	[dreg:$0x2] =	wrdreg s24  }
0xb5: {  	[dreg:$0x3] =	wrdreg s16  }
0xb6: {  	[dreg:$0x4] =	wrdreg $0x9  }
0xb7: {  	_ =	task.clear_ibuf [dreg:s7], $0x5FFFF;
	_ =	strace $0x90000046  }
0xb8: {  	s29 =	simm.s32 $0x9;
	_ =	strace $0x80000048  }
0xb9: {  	_ =	swait.ge [sflag:s29], $0x1  }
0xba: {  	[sflag:s29] =	ssyncadd.s32 $0xFFFFFFFF  }
0xbb: {  	_ =	strace $0x90000048  }
0xbc: {  	_ =	sfence  }
0xbd: {  	s30 =	sld [smem:$0x0];
	_ =	sdelay $0x2  }
0xbe: {  	s31 =	sshll.u32 s1, $0xD;
	s1 =	sshrl.u32 s1, $0x2  }
0xbf: {  	s3 =	sand.u32 $0x4000, s31;
	s1 =	sadd.s32 s1, s30  }
0xc0: {  	s0 =	sor.u32 s3, s0;
	s1 =	sshll.u32 s1, $0x11  }
0xc1: {  	s0 =	sor.u32 s1, s0  }
0xc2: {  	s0 =	sadd.s32 $0x8F2B, s0  }
0xc3: {  	[sflag:s0] =	ssyncadd.remote.s32 $0x1  }
0xc4: {  	_ =	sfence.sel $0xFFFF  }
0xc5: {  	[dreg:$0x0] =	wrdreg $0xFFFFFFFF;
	(pc) =	sbr.abs _section_cstart, $3  }
0xc6: {  	[dreg:$0x1] =	wrdreg $0xFFFFFFFF  }
0xc7: {  	_ =	task.clear_ibuf [dreg:s7], $0x2FFFF;
	_ =	strace $0x9FFFFFFF  }
0xc8: {  	(tm) =	ssettm $0x7FFFFFFF  }
0xc9: {  	_ =	shalt  }
tec
execute0_lowered:
.L_overlay_start_1:
0x0: {  	(tag) =	ssettag $0x1  }
0x1: {  	s1 =	srdreg.scid  }
0x2: {  	s8 =	rddreg [dreg:$0x0];
	s0 =	stileid.u32;
	s22 =	sand.u32 $0x1, s1  }
0x3: {  	s21 =	rddreg [dreg:$0x1];
	s3 =	sshll.u32 s0, $0xD;
	s4 =	sshll.u32 s22, $0xC  }
0x4: {  	s2 =	simm.s32 $0x0;
	s1 =	rddreg [dreg:$0x2];
	s24 =	sor.u32 s4, s3  }
0x5: {  	[smem:$0x7FF] =	sst s2;
	s3 =	sshrl.u32 s24, $0x3  }
0x6: {  	_ =	strace $0x80000047;
	s4 =	sadd.s32 s21, s3;
	s3 =	simm.s32 $0x2  }
0x7: {  	[tilespmem:s2], [sflag:$0x2] =	stream.linear.gather [hbm4b:s4+s2], $0x200, $0x38;
	[tilespmem:$0x10200] =	vst v63  }
0x8: {  	_ =	swait.ge [sflag:s3], $0x200  }
0x9: {  	s6 =	simm.s32 $0x200;
	[sflag:s3] =	ssyncset.done $0x0  }
0xa: {  	s7 =	simm.s32 $0x1;
	s5 =	sadd.s32 $0x800, s8;
	[sflag:s3] =	ssyncadd.s32 $0xFFFFFE00  }
0xb: {  	[tilespmem:s6], [sflag:$0x1] =	stream.indirect.gather [hbm4b:s5+s6], $0x80, s2, s6, $0xb8;
	[tilespmem:$0x10200] =	vst v63  }
0xc: {  	_ =	swait.ge [sflag:s7], $0x10000  }
0xd: {  	s23 =	sadd.s32 $0x40800, s8;
	s28 =	sshll.u32 s24, $0x4;
	[sflag:s7] =	ssyncset.done $0x0  }
0xe: {  	s8 =	sadd.s32 s23, s28;
	[sflag:s7] =	ssyncadd.s32 $0xFFFF0000  }
0xf: {  	[hbm4b:s8+s2] =	stream.linear.scatter [tilespmem:s6], [sflag:$0x2], $0x10000, $0x38;
	[tilespmem:$0x10200] =	vst v63  }
0x10: {  	s10 =	sor.u32 $0x200, s24;
	_ =	swait.ge [sflag:s3], $0x10000  }
0x11: {  	s9 =	sshrl.u32 s10, $0x3;
	[sflag:s3] =	ssyncset.done $0x0  }
0x12: {  	s9 =	sadd.s32 s21, s9;
	[sflag:s3] =	ssyncadd.s32 $0xFFFF0000  }
0x13: {  	[tilespmem:s2], [sflag:$0x2] =	stream.linear.gather [hbm4b:s9+s2], $0x200, $0x38;
	[tilespmem:$0x10200] =	vst v63  }
0x14: {  	_ =	swait.ge [sflag:s3], $0x200  }
0x15: {  	[sflag:s3] =	ssyncset.done $0x0  }
0x16: {  	[sflag:s3] =	ssyncadd.s32 $0xFFFFFE00  }
0x17: {  	[tilespmem:s6], [sflag:$0x1] =	stream.indirect.gather [hbm4b:s5+s6], $0x80, s2, s6, $0xb8;
	[tilespmem:$0x10200] =	vst v63  }
0x18: {  	_ =	swait.ge [sflag:s7], $0x10000  }
0x19: {  	s10 =	sshll.u32 s10, $0x4;
	[sflag:s7] =	ssyncset.done $0x0  }
0x1a: {  	s10 =	sadd.s32 s23, s10;
	[sflag:s7] =	ssyncadd.s32 $0xFFFF0000  }
0x1b: {  	[hbm4b:s10+s2] =	stream.linear.scatter [tilespmem:s6], [sflag:$0x2], $0x10000, $0x38;
	[tilespmem:$0x10200] =	vst v63  }
0x1c: {  	s12 =	sor.u32 $0x400, s24;
	_ =	swait.ge [sflag:s3], $0x10000  }
0x1d: {  	s11 =	sshrl.u32 s12, $0x3;
	[sflag:s3] =	ssyncset.done $0x0  }
0x1e: {  	s11 =	sadd.s32 s21, s11;
	[sflag:s3] =	ssyncadd.s32 $0xFFFF0000  }
0x1f: {  	[tilespmem:s2], [sflag:$0x2] =	stream.linear.gather [hbm4b:s11+s2], $0x200, $0x38;
	[tilespmem:$0x10200] =	vst v63  }
0x20: {  	_ =	swait.ge [sflag:s3], $0x200  }
0x21: {  	[sflag:s3] =	ssyncset.done $0x0  }
0x22: {  	[sflag:s3] =	ssyncadd.s32 $0xFFFFFE00  }
0x23: {  	[tilespmem:s6], [sflag:$0x1] =	stream.indirect.gather [hbm4b:s5+s6], $0x80, s2, s6, $0xb8;
	[tilespmem:$0x10200] =	vst v63  }
0x24: {  	_ =	swait.ge [sflag:s7], $0x10000  }
0x25: {  	s12 =	sshll.u32 s12, $0x4;
	[sflag:s7] =	ssyncset.done $0x0  }
0x26: {  	s12 =	sadd.s32 s23, s12;
	[sflag:s7] =	ssyncadd.s32 $0xFFFF0000  }
0x27: {  	[hbm4b:s12+s2] =	stream.linear.scatter [tilespmem:s6], [sflag:$0x2], $0x10000, $0x38;
	[tilespmem:$0x10200] =	vst v63  }
0x28: {  	s14 =	sor.u32 $0x600, s24;
	_ =	swait.ge [sflag:s3], $0x10000  }
0x29: {  	s13 =	sshrl.u32 s14, $0x3;
	[sflag:s3] =	ssyncset.done $0x0  }
0x2a: {  	s13 =	sadd.s32 s21, s13;
	[sflag:s3] =	ssyncadd.s32 $0xFFFF0000  }
0x2b: {  	[tilespmem:s2], [sflag:$0x2] =	stream.linear.gather [hbm4b:s13+s2], $0x200, $0x38;
	[tilespmem:$0x10200] =	vst v63  }
0x2c: {  	_ =	swait.ge [sflag:s3], $0x200  }
0x2d: {  	[sflag:s3] =	ssyncset.done $0x0  }
0x2e: {  	[sflag:s3] =	ssyncadd.s32 $0xFFFFFE00  }
0x2f: {  	[tilespmem:s6], [sflag:$0x1] =	stream.indirect.gather [hbm4b:s5+s6], $0x80, s2, s6, $0xb8;
	[tilespmem:$0x10200] =	vst v63  }
0x30: {  	_ =	swait.ge [sflag:s7], $0x10000  }
0x31: {  	s14 =	sshll.u32 s14, $0x4;
	[sflag:s7] =	ssyncset.done $0x0  }
0x32: {  	s14 =	sadd.s32 s23, s14;
	[sflag:s7] =	ssyncadd.s32 $0xFFFF0000  }
0x33: {  	[hbm4b:s14+s2] =	stream.linear.scatter [tilespmem:s6], [sflag:$0x2], $0x10000, $0x38;
	[tilespmem:$0x10200] =	vst v63  }
0x34: {  	s16 =	sor.u32 $0x800, s24;
	_ =	swait.ge [sflag:s3], $0x10000  }
0x35: {  	s15 =	sshrl.u32 s16, $0x3;
	[sflag:s3] =	ssyncset.done $0x0  }
0x36: {  	s15 =	sadd.s32 s21, s15;
	[sflag:s3] =	ssyncadd.s32 $0xFFFF0000  }
0x37: {  	[tilespmem:s2], [sflag:$0x2] =	stream.linear.gather [hbm4b:s15+s2], $0x200, $0x38;
	[tilespmem:$0x10200] =	vst v63  }
0x38: {  	_ =	swait.ge [sflag:s3], $0x200  }
0x39: {  	[sflag:s3] =	ssyncset.done $0x0  }
0x3a: {  	[sflag:s3] =	ssyncadd.s32 $0xFFFFFE00  }
0x3b: {  	[tilespmem:s6], [sflag:$0x1] =	stream.indirect.gather [hbm4b:s5+s6], $0x80, s2, s6, $0xb8;
	[tilespmem:$0x10200] =	vst v63  }
0x3c: {  	_ =	swait.ge [sflag:s7], $0x10000  }
0x3d: {  	s16 =	sshll.u32 s16, $0x4;
	[sflag:s7] =	ssyncset.done $0x0  }
0x3e: {  	s16 =	sadd.s32 s23, s16;
	[sflag:s7] =	ssyncadd.s32 $0xFFFF0000  }
0x3f: {  	[hbm4b:s16+s2] =	stream.linear.scatter [tilespmem:s6], [sflag:$0x2], $0x10000, $0x38;
	[tilespmem:$0x10200] =	vst v63  }
0x40: {  	s18 =	sor.u32 $0xA00, s24;
	_ =	swait.ge [sflag:s3], $0x10000  }
0x41: {  	s17 =	sshrl.u32 s18, $0x3;
	[sflag:s3] =	ssyncset.done $0x0  }
0x42: {  	s17 =	sadd.s32 s21, s17;
	[sflag:s3] =	ssyncadd.s32 $0xFFFF0000  }
0x43: {  	[tilespmem:s2], [sflag:$0x2] =	stream.linear.gather [hbm4b:s17+s2], $0x200, $0x38;
	[tilespmem:$0x10200] =	vst v63  }
0x44: {  	_ =	swait.ge [sflag:s3], $0x200  }
0x45: {  	[sflag:s3] =	ssyncset.done $0x0  }
0x46: {  	[sflag:s3] =	ssyncadd.s32 $0xFFFFFE00  }
0x47: {  	[tilespmem:s6], [sflag:$0x1] =	stream.indirect.gather [hbm4b:s5+s6], $0x80, s2, s6, $0xb8;
	[tilespmem:$0x10200] =	vst v63  }
0x48: {  	_ =	swait.ge [sflag:s7], $0x10000  }
0x49: {  	s18 =	sshll.u32 s18, $0x4;
	[sflag:s7] =	ssyncset.done $0x0  }
0x4a: {  	s18 =	sadd.s32 s23, s18;
	[sflag:s7] =	ssyncadd.s32 $0xFFFF0000  }
0x4b: {  	[hbm4b:s18+s2] =	stream.linear.scatter [tilespmem:s6], [sflag:$0x2], $0x10000, $0x38;
	[tilespmem:$0x10200] =	vst v63  }
0x4c: {  	s20 =	sor.u32 $0xC00, s24;
	_ =	swait.ge [sflag:s3], $0x10000  }
0x4d: {  	s19 =	sshrl.u32 s20, $0x3;
	[sflag:s3] =	ssyncset.done $0x0  }
0x4e: {  	s19 =	sadd.s32 s21, s19;
	[sflag:s3] =	ssyncadd.s32 $0xFFFF0000  }
0x4f: {  	[tilespmem:s2], [sflag:$0x2] =	stream.linear.gather [hbm4b:s19+s2], $0x200, $0x38;
	[tilespmem:$0x10200] =	vst v63  }
0x50: {  	_ =	swait.ge [sflag:s3], $0x200  }
0x51: {  	[sflag:s3] =	ssyncset.done $0x0  }
0x52: {  	[sflag:s3] =	ssyncadd.s32 $0xFFFFFE00  }
0x53: {  	[tilespmem:s6], [sflag:$0x1] =	stream.indirect.gather [hbm4b:s5+s6], $0x80, s2, s6, $0xb8;
	[tilespmem:$0x10200] =	vst v63  }
0x54: {  	_ =	swait.ge [sflag:s7], $0x10000  }
0x55: {  	s20 =	sshll.u32 s20, $0x4;
	[sflag:s7] =	ssyncset.done $0x0  }
0x56: {  	s20 =	sadd.s32 s23, s20;
	[sflag:s7] =	ssyncadd.s32 $0xFFFF0000  }
0x57: {  	[hbm4b:s20+s2] =	stream.linear.scatter [tilespmem:s6], [sflag:$0x2], $0x10000, $0x38;
	[tilespmem:$0x10200] =	vst v63  }
0x58: {  	s24 =	sor.u32 $0xE00, s24;
	_ =	swait.ge [sflag:s3], $0x10000  }
0x59: {  	s25 =	sshrl.u32 s24, $0x3;
	[sflag:s3] =	ssyncset.done $0x0  }
0x5a: {  	s22 =	ssub.s32 $0x2, s22;
	s21 =	sadd.s32 s21, s25;
	[sflag:s3] =	ssyncadd.s32 $0xFFFF0000  }
0x5b: {  	[tilespmem:s2], [sflag:$0x2] =	stream.linear.gather [hbm4b:s21+s2], $0x200, $0x38;
	[tilespmem:$0x10200] =	vst v63  }
0x5c: {  	s29 =	sshrl.u32 s22, $0x1;
	_ =	swait.ge [sflag:s3], $0x200  }
0x5d: {  	s25 =	ssub.s32 s22, s29;
	[sflag:s3] =	ssyncset.done $0x0  }
0x5e: {  	s31 =	smax.u32 s25, $0x1;
	[sflag:s3] =	ssyncadd.s32 $0xFFFFFE00  }
0x5f: {  	[tilespmem:s6], [sflag:$0x1] =	stream.indirect.gather [hbm4b:s5+s6], $0x80, s2, s6, $0xb8;
	[tilespmem:$0x10200] =	vst v63  }
0x60: {  	p0 =	sne.s32 s31, $0x1;
	_ =	swait.ge [sflag:s7], $0x10000  }
.Ltmp0:
0x61: {  	s30 =	sshll.u32 s24, $0x4;
	[sflag:s7] =	ssyncset.done $0x0;
	(pc) =	sbr.rel @!p0 .LBB2_2-.Ltmp0, $4  }
0x62: {  	s22 =	sadd.s32 s23, s30;
	[sflag:s7] =	ssyncadd.s32 $0xFFFF0000  }
0x63: {  	[hbm4b:s22+s2] =	stream.linear.scatter [tilespmem:s6], [sflag:$0x2], $0x10000, $0x38;
	[tilespmem:$0x10200] =	vst v63  }
0x64: {  	_ =	swait.ge [sflag:s3], $0x10000  }
0x65: {  	s23 =	sadd.s32 $0xFFFFFFFF, s31;
	[sflag:s3] =	ssyncset.done $0x0  }
.LBB2_1:
0x66: {  	p0 =	sne.s32 s23, $0x1;
	s23 =	sadd.s32 $0xFFFFFFFF, s23;
	[sflag:s3] =	ssyncadd.s32 $0xFFFF0000  }
0x67: {  	[tilespmem:s2], [sflag:$0x2] =	stream.linear.gather [hbm4b:s4+s2], $0x200, $0x38;
	[tilespmem:$0x10200] =	vst v63  }
0x68: {  	_ =	swait.ge [sflag:s3], $0x200  }
0x69: {  	[sflag:s3] =	ssyncset.done $0x0  }
0x6a: {  	[sflag:s3] =	ssyncadd.s32 $0xFFFFFE00  }
0x6b: {  	[tilespmem:s6], [sflag:$0x1] =	stream.indirect.gather [hbm4b:s5+s6], $0x80, s2, s6, $0xb8;
	[tilespmem:$0x10200] =	vst v63  }
0x6c: {  	_ =	swait.ge [sflag:s7], $0x10000  }
0x6d: {  	[sflag:s7] =	ssyncset.done $0x0  }
0x6e: {  	[sflag:s7] =	ssyncadd.s32 $0xFFFF0000  }
0x6f: {  	[hbm4b:s8+s2] =	stream.linear.scatter [tilespmem:s6], [sflag:$0x2], $0x10000, $0x38;
	[tilespmem:$0x10200] =	vst v63  }
0x70: {  	_ =	swait.ge [sflag:s3], $0x10000  }
0x71: {  	[sflag:s3] =	ssyncset.done $0x0  }
0x72: {  	[sflag:s3] =	ssyncadd.s32 $0xFFFF0000  }
0x73: {  	[tilespmem:s2], [sflag:$0x2] =	stream.linear.gather [hbm4b:s9+s2], $0x200, $0x38;
	[tilespmem:$0x10200] =	vst v63  }
0x74: {  	_ =	swait.ge [sflag:s3], $0x200  }
0x75: {  	[sflag:s3] =	ssyncset.done $0x0  }
0x76: {  	[sflag:s3] =	ssyncadd.s32 $0xFFFFFE00  }
0x77: {  	[tilespmem:s6], [sflag:$0x1] =	stream.indirect.gather [hbm4b:s5+s6], $0x80, s2, s6, $0xb8;
	[tilespmem:$0x10200] =	vst v63  }
0x78: {  	_ =	swait.ge [sflag:s7], $0x10000  }
0x79: {  	[sflag:s7] =	ssyncset.done $0x0  }
0x7a: {  	[sflag:s7] =	ssyncadd.s32 $0xFFFF0000  }
0x7b: {  	[hbm4b:s10+s2] =	stream.linear.scatter [tilespmem:s6], [sflag:$0x2], $0x10000, $0x38;
	[tilespmem:$0x10200] =	vst v63  }
0x7c: {  	_ =	swait.ge [sflag:s3], $0x10000  }
0x7d: {  	[sflag:s3] =	ssyncset.done $0x0  }
0x7e: {  	[sflag:s3] =	ssyncadd.s32 $0xFFFF0000  }
0x7f: {  	[tilespmem:s2], [sflag:$0x2] =	stream.linear.gather [hbm4b:s11+s2], $0x200, $0x38;
	[tilespmem:$0x10200] =	vst v63  }
0x80: {  	_ =	swait.ge [sflag:s3], $0x200  }
0x81: {  	[sflag:s3] =	ssyncset.done $0x0  }
0x82: {  	[sflag:s3] =	ssyncadd.s32 $0xFFFFFE00  }
0x83: {  	[tilespmem:s6], [sflag:$0x1] =	stream.indirect.gather [hbm4b:s5+s6], $0x80, s2, s6, $0xb8;
	[tilespmem:$0x10200] =	vst v63  }
0x84: {  	_ =	swait.ge [sflag:s7], $0x10000  }
0x85: {  	[sflag:s7] =	ssyncset.done $0x0  }
0x86: {  	[sflag:s7] =	ssyncadd.s32 $0xFFFF0000  }
0x87: {  	[hbm4b:s12+s2] =	stream.linear.scatter [tilespmem:s6], [sflag:$0x2], $0x10000, $0x38;
	[tilespmem:$0x10200] =	vst v63  }
0x88: {  	_ =	swait.ge [sflag:s3], $0x10000  }
0x89: {  	[sflag:s3] =	ssyncset.done $0x0  }
0x8a: {  	[sflag:s3] =	ssyncadd.s32 $0xFFFF0000  }
0x8b: {  	[tilespmem:s2], [sflag:$0x2] =	stream.linear.gather [hbm4b:s13+s2], $0x200, $0x38;
	[tilespmem:$0x10200] =	vst v63  }
0x8c: {  	_ =	swait.ge [sflag:s3], $0x200  }
0x8d: {  	[sflag:s3] =	ssyncset.done $0x0  }
0x8e: {  	[sflag:s3] =	ssyncadd.s32 $0xFFFFFE00  }
0x8f: {  	[tilespmem:s6], [sflag:$0x1] =	stream.indirect.gather [hbm4b:s5+s6], $0x80, s2, s6, $0xb8;
	[tilespmem:$0x10200] =	vst v63  }
0x90: {  	_ =	swait.ge [sflag:s7], $0x10000  }
0x91: {  	[sflag:s7] =	ssyncset.done $0x0  }
0x92: {  	[sflag:s7] =	ssyncadd.s32 $0xFFFF0000  }
0x93: {  	[hbm4b:s14+s2] =	stream.linear.scatter [tilespmem:s6], [sflag:$0x2], $0x10000, $0x38;
	[tilespmem:$0x10200] =	vst v63  }
0x94: {  	_ =	swait.ge [sflag:s3], $0x10000  }
0x95: {  	[sflag:s3] =	ssyncset.done $0x0  }
0x96: {  	[sflag:s3] =	ssyncadd.s32 $0xFFFF0000  }
0x97: {  	[tilespmem:s2], [sflag:$0x2] =	stream.linear.gather [hbm4b:s15+s2], $0x200, $0x38;
	[tilespmem:$0x10200] =	vst v63  }
0x98: {  	_ =	swait.ge [sflag:s3], $0x200  }
0x99: {  	[sflag:s3] =	ssyncset.done $0x0  }
0x9a: {  	[sflag:s3] =	ssyncadd.s32 $0xFFFFFE00  }
0x9b: {  	[tilespmem:s6], [sflag:$0x1] =	stream.indirect.gather [hbm4b:s5+s6], $0x80, s2, s6, $0xb8;
	[tilespmem:$0x10200] =	vst v63  }
0x9c: {  	_ =	swait.ge [sflag:s7], $0x10000  }
0x9d: {  	[sflag:s7] =	ssyncset.done $0x0  }
0x9e: {  	[sflag:s7] =	ssyncadd.s32 $0xFFFF0000  }
0x9f: {  	[hbm4b:s16+s2] =	stream.linear.scatter [tilespmem:s6], [sflag:$0x2], $0x10000, $0x38;
	[tilespmem:$0x10200] =	vst v63  }
0xa0: {  	_ =	swait.ge [sflag:s3], $0x10000  }
0xa1: {  	[sflag:s3] =	ssyncset.done $0x0  }
0xa2: {  	[sflag:s3] =	ssyncadd.s32 $0xFFFF0000  }
0xa3: {  	[tilespmem:s2], [sflag:$0x2] =	stream.linear.gather [hbm4b:s17+s2], $0x200, $0x38;
	[tilespmem:$0x10200] =	vst v63  }
0xa4: {  	_ =	swait.ge [sflag:s3], $0x200  }
0xa5: {  	[sflag:s3] =	ssyncset.done $0x0  }
0xa6: {  	[sflag:s3] =	ssyncadd.s32 $0xFFFFFE00  }
0xa7: {  	[tilespmem:s6], [sflag:$0x1] =	stream.indirect.gather [hbm4b:s5+s6], $0x80, s2, s6, $0xb8;
	[tilespmem:$0x10200] =	vst v63  }
0xa8: {  	_ =	swait.ge [sflag:s7], $0x10000  }
0xa9: {  	[sflag:s7] =	ssyncset.done $0x0  }
0xaa: {  	[sflag:s7] =	ssyncadd.s32 $0xFFFF0000  }
0xab: {  	[hbm4b:s18+s2] =	stream.linear.scatter [tilespmem:s6], [sflag:$0x2], $0x10000, $0x38;
	[tilespmem:$0x10200] =	vst v63  }
0xac: {  	_ =	swait.ge [sflag:s3], $0x10000  }
0xad: {  	[sflag:s3] =	ssyncset.done $0x0  }
0xae: {  	[sflag:s3] =	ssyncadd.s32 $0xFFFF0000  }
0xaf: {  	[tilespmem:s2], [sflag:$0x2] =	stream.linear.gather [hbm4b:s19+s2], $0x200, $0x38;
	[tilespmem:$0x10200] =	vst v63  }
0xb0: {  	_ =	swait.ge [sflag:s3], $0x200  }
0xb1: {  	[sflag:s3] =	ssyncset.done $0x0  }
0xb2: {  	[sflag:s3] =	ssyncadd.s32 $0xFFFFFE00  }
0xb3: {  	[tilespmem:s6], [sflag:$0x1] =	stream.indirect.gather [hbm4b:s5+s6], $0x80, s2, s6, $0xb8;
	[tilespmem:$0x10200] =	vst v63  }
0xb4: {  	_ =	swait.ge [sflag:s7], $0x10000  }
0xb5: {  	[sflag:s7] =	ssyncset.done $0x0  }
0xb6: {  	[sflag:s7] =	ssyncadd.s32 $0xFFFF0000  }
0xb7: {  	[hbm4b:s20+s2] =	stream.linear.scatter [tilespmem:s6], [sflag:$0x2], $0x10000, $0x38;
	[tilespmem:$0x10200] =	vst v63  }
0xb8: {  	_ =	swait.ge [sflag:s3], $0x10000  }
0xb9: {  	[sflag:s3] =	ssyncset.done $0x0  }
0xba: {  	[sflag:s3] =	ssyncadd.s32 $0xFFFF0000  }
0xbb: {  	[tilespmem:s2], [sflag:$0x2] =	stream.linear.gather [hbm4b:s21+s2], $0x200, $0x38;
	[tilespmem:$0x10200] =	vst v63  }
0xbc: {  	_ =	swait.ge [sflag:s3], $0x200  }
0xbd: {  	[sflag:s3] =	ssyncset.done $0x0  }
0xbe: {  	[sflag:s3] =	ssyncadd.s32 $0xFFFFFE00  }
0xbf: {  	[tilespmem:s6], [sflag:$0x1] =	stream.indirect.gather [hbm4b:s5+s6], $0x80, s2, s6, $0xb8;
	[tilespmem:$0x10200] =	vst v63  }
0xc0: {  	_ =	swait.ge [sflag:s7], $0x10000  }
.Ltmp1:
0xc1: {  	[sflag:s7] =	ssyncset.done $0x0;
	(pc) =	sbr.rel @p0 .LBB2_1-.Ltmp1, $4  }
0xc2: {  	[sflag:s7] =	ssyncadd.s32 $0xFFFF0000  }
0xc3: {  	[hbm4b:s22+s2] =	stream.linear.scatter [tilespmem:s6], [sflag:$0x2], $0x10000, $0x38;
	[tilespmem:$0x10200] =	vst v63  }
0xc4: {  	_ =	swait.ge [sflag:s3], $0x10000  }
0xc5: {  	[sflag:s3] =	ssyncset.done $0x0  }
.LBB2_2:
0xc6: {  	[sflag:s3] =	ssyncadd.s32 $0xFFFF0000  }
0xc7: {  	_ =	sfence.sel $0x180000  }
0xc8: {  	[bflag:$0x0] =	sbarrier.arrive $0xFFFF  }
0xc9: {  	p0 =	sne.s32 s0, $0x0;
	_ =	strace $0x90000047  }
0xca: {  	s0 =	sadd.s32 @!p0 $0x100000, s1;
	[bflag:$0x2] =	sbarrier.arrive $0xFFFF  }
0xcb: {  	[sflag:s0] =	ssyncadd.tile.s32 @!p0 $0x1;
	_ =	shalt  }
.Lfunc_end2:
_tile_overlayer_lowered:
.L_overlay_start_2:
0xcc: {  	(tag) =	ssettag $0x2  }
0xcd: {  	s0 =	rddreg [dreg:$0x0];
	s2 =	stileid.u32  }
0xce: {  	s1 =	rddreg [dreg:$0x1];
	p0 =	sne.s32 s2, $0x0  }
0xcf: {  	s3 =	rddreg [dreg:$0x2];
	[bflag:$0x3] =	sbarrier.arrive $0xFFFF;
	s2 =	simm.s32 @!p0 $0x1C02  }
0xd0: {  	[timem:s3], [sflag:s2] =	dma.local @!p0 [hbm:s0], s1  }
0xd1: {  	s0 =	simm.s32 @!p0 $0x2  }
0xd2: {  	_ =	swait.ge @!p0 [sflag:s0], s1  }
0xd3: {  	s1 =	ssub.s32 @!p0 $0x0, s1;
	[sflag:s0] =	ssyncset.done @!p0 $0x0  }
0xd4: {  	[sflag:s0] =	ssyncadd.s32 @!p0 s1  }
0xd5: {  	[bflag:$0x3] =	sbarrier.arrive $0xFFFF  }
0xd6: {  	_ =	shalt  }

</sc_bundles>
